<compile_context>
chip_gen: v7x
topology: tpu7x:2x2x1
jax: 0.10.2.dev20260603
libtpu: 0.0.44.dev20260713+nightly
codegen_flags: <defaults>
</compile_context>

<pallas_src>
import functools

import jax
import jax.numpy as jnp
from jax import lax
from jax.experimental import pallas as pl
from jax.experimental.pallas import tpu as pltpu
from jax.experimental.pallas import tpu_sc as plsc

N = 10000
E = 320000
D = 128
D_OUT = 40

NC = 2
NS = 16
NT = NC * NS
CHUNK = 128
G = 8
NW = 10
CPT = NW * G
EPT = CPT * CHUNK
EP = NT * EPT
NP = 10240
ROWS_PER_TILE = NP // NS


def _sc_segment_sum(h, src_r, dst_r, norm_r):
    mesh = plsc.VectorSubcoreMesh(core_axis_name="c", subcore_axis_name="s")

    @functools.partial(
        pl.kernel,
        out_type=jax.ShapeDtypeStruct((NC, NP, D), jnp.float32),
        mesh=mesh,
        scratch_types=[
            pltpu.VMEM((EPT,), jnp.int32),
            pltpu.VMEM((G, CHUNK), jnp.int32),
            pltpu.VMEM((G, CHUNK), jnp.float32),
            pltpu.VMEM((CHUNK, D), jnp.float32),
            pltpu.VMEM_SHARED((NP, D), jnp.float32),
            pltpu.SemaphoreType.DMA,
        ],
        compiler_params=pltpu.CompilerParams(needs_layout_passes=False),
    )
    def seg_sum(h_hbm, src_hbm, dst_hbm, norm_hbm, out_hbm,
                src_v, dst_w, norm_w, rows, acc_sh, sem):
        cid = lax.axis_index("c")
        sid = lax.axis_index("s")
        tid = cid * NS + sid

        pltpu.sync_copy(src_hbm.at[tid], src_v)

        zero16 = jnp.zeros((16,), jnp.float32)

        @pl.loop(0, CHUNK)
        def _(r):
            for q in range(D // 16):
                rows[r, pl.ds(q * 16, 16)] = zero16

        base = sid * ROWS_PER_TILE
        for i in range(ROWS_PER_TILE // CHUNK):
            pltpu.sync_copy(rows, acc_sh.at[pl.ds(base + i * CHUNK, CHUNK)])
        plsc.subcore_barrier()

        @pl.loop(0, NW)
        def _(w):
            pltpu.sync_copy(dst_hbm.at[tid, w], dst_w)
            pltpu.sync_copy(norm_hbm.at[tid, w], norm_w)

            @pl.loop(0, G)
            def _(g):
                j = w * G + g
                pltpu.async_copy(
                    h_hbm.at[src_v.at[pl.ds(j * CHUNK, CHUNK)]], rows, sem
                ).wait()

                @pl.loop(0, CHUNK)
                def _(r):
                    gg = lax.broadcast(g, (16,))
                    rr = lax.broadcast(r, (16,))
                    wgt = plsc.load_gather(norm_w, [gg, rr])
                    for q in range(D // 16):
                        sl = pl.ds(q * 16, 16)
                        rows[r, sl] = rows[r, sl] * wgt

                pltpu.sync_copy(rows, acc_sh.at[dst_w.at[g]], add=True)

        plsc.subcore_barrier()
        pltpu.sync_copy(acc_sh.at[pl.ds(base, ROWS_PER_TILE)],
                        out_hbm.at[cid, pl.ds(base, ROWS_PER_TILE)])

    return seg_sum(h, src_r, dst_r, norm_r)


def _tc_mm1(xp, W1):
    def body(x_ref, w_ref, o_ref):
        o_ref[...] = jnp.dot(x_ref[...], w_ref[...],
                             preferred_element_type=jnp.float32,
                             precision=lax.Precision.HIGHEST)

    return pl.pallas_call(
        body, out_shape=jax.ShapeDtypeStruct((NP, D), jnp.float32))(xp, W1)


def _tc_bn_relu_mm(p, gamma1, beta1, W2):
    def body(p_ref, g_ref, be_ref, w_ref, xs0_ref, h2_ref):
        ps = p_ref[0] + p_ref[1]
        s1 = jnp.sum(ps, axis=0)
        s2 = jnp.sum(ps * ps, axis=0)
        mean = s1 / N
        var = s2 / N - mean * mean
        inv = lax.rsqrt(var + 1e-5)
        xs0 = jnp.maximum(g_ref[...] * (ps - mean) * inv + be_ref[...], 0.0)
        xs0_ref[...] = xs0
        h2_ref[...] = jnp.dot(xs0, w_ref[...],
                              preferred_element_type=jnp.float32,
                              precision=lax.Precision.HIGHEST)

    return pl.pallas_call(
        body,
        out_shape=[jax.ShapeDtypeStruct((NP, D), jnp.float32),
                   jax.ShapeDtypeStruct((NP, D), jnp.float32)],
    )(p, gamma1, beta1, W2)


def _tc_final(xs0, q, b2, Wp_pad, bp_pad):
    def body(xs0_ref, q_ref, b2_ref, wp_ref, bp_ref, o_ref):
        xs1 = q_ref[0] + q_ref[1] + b2_ref[...]
        jk = jnp.maximum(xs0_ref[...], xs1)
        out = jnp.dot(jk, wp_ref[...],
                      preferred_element_type=jnp.float32,
                      precision=lax.Precision.HIGHEST) + bp_ref[...]
        col = lax.broadcasted_iota(jnp.int32, (NP, D), 1)
        z = jnp.where(col < D_OUT, out, -jnp.inf)
        m = jnp.max(z, axis=1, keepdims=True)
        lse = jnp.log(jnp.sum(jnp.exp(z - m), axis=1, keepdims=True)) + m
        o_ref[...] = out - lse

    return pl.pallas_call(
        body, out_shape=jax.ShapeDtypeStruct((NP, D), jnp.float32),
    )(xs0, q, b2, Wp_pad, bp_pad)


def kernel(x, edge_index, norm_A, W1, b1, gamma1, beta1, W2, b2, Wp, bp):
    src = edge_index[0]
    dst = edge_index[1]
    pad_e = EP - E
    src_r = jnp.concatenate(
        [src, jnp.zeros((pad_e,), jnp.int32)]).reshape(NT, EPT)
    dst_r = jnp.concatenate(
        [dst, jnp.zeros((pad_e,), jnp.int32)]).reshape(NT, NW, G, CHUNK)
    norm_r = jnp.concatenate(
        [norm_A, jnp.zeros((pad_e,), jnp.float32)]).reshape(NT, NW, G, CHUNK)
    xp = jnp.pad(x, ((0, NP - N), (0, 0)))
    Wp_pad = jnp.pad(Wp, ((0, 0), (0, D - D_OUT)))
    bp_pad = jnp.pad(bp, (0, D - D_OUT))

    h1 = _tc_mm1(xp, W1)
    p = _sc_segment_sum(h1, src_r, dst_r, norm_r)
    xs0, h2 = _tc_bn_relu_mm(p, gamma1, beta1, W2)
    q = _sc_segment_sum(h2, src_r, dst_r, norm_r)
    out = _tc_final(xs0, q, b2, Wp_pad, bp_pad)
    return out[:N, :D_OUT]

# --- scband reference (transcript-rebuilt; emitter-appended) ---
"""Pipeline reference for scband-gcnjk-24481313587663 (READ-ONLY COPY).

The authoritative reference and input builder live on the scoring server;
editing this copy changes nothing except your own understanding.
"""

import jax, jax.numpy as jnp
import numpy as np

N = 10000
E = 320000
D_IN = 128
D_HID = 128
D_OUT = 40


def setup_inputs(seed: int = 0) -> dict:
    key = jax.random.key(seed)
    ks = jax.random.split(key, 8)
    x = jax.random.normal(ks[0], (N, D_IN), dtype=jnp.float32)
    edge_index = jax.random.randint(ks[1], (2, E), 0, N, dtype=jnp.int32)
    norm_A = jax.random.uniform(ks[2], (E,), dtype=jnp.float32)
    W1 = jax.random.normal(ks[3], (D_IN, D_HID), dtype=jnp.float32) * (1.0 / np.sqrt(D_IN))
    b1 = jnp.zeros((D_HID,), dtype=jnp.float32)
    gamma1 = jnp.ones((D_HID,), dtype=jnp.float32)
    beta1 = jnp.zeros((D_HID,), dtype=jnp.float32)
    W2 = jax.random.normal(ks[4], (D_HID, D_HID), dtype=jnp.float32) * (1.0 / np.sqrt(D_HID))
    b2 = jnp.zeros((D_HID,), dtype=jnp.float32)
    Wp = jax.random.normal(ks[5], (D_HID, D_OUT), dtype=jnp.float32) * (1.0 / np.sqrt(D_HID))
    bp = jnp.zeros((D_OUT,), dtype=jnp.float32)
    return {"x": x, "edge_index": edge_index, "norm_A": norm_A, "W1": W1, "b1": b1,
            "gamma1": gamma1, "beta1": beta1, "W2": W2, "b2": b2, "Wp": Wp, "bp": bp}


def _gcn_conv(x, src, dst, W, b, norm):
    # PyG GCNConv(normalize=False): linear -> weighted scatter-add by dst -> bias
    h = x @ W
    msg = h[src] * norm[:, None]
    agg = jax.ops.segment_sum(msg, dst, num_segments=N)
    return agg + b


def _batch_norm(x, gamma, beta, eps=1e-5):
    mean = jnp.mean(x, axis=0)
    var = jnp.var(x, axis=0)
    return gamma * (x - mean) / jnp.sqrt(var + eps) + beta


def reference(x, edge_index, norm_A, W1, b1, gamma1, beta1, W2, b2, Wp, bp):
    src = edge_index[0]
    dst = edge_index[1]
    # layer 1: conv -> BN -> relu (dropout omitted: deterministic reference)
    h = _gcn_conv(x, src, dst, W1, b1, norm_A)
    h = _batch_norm(h, gamma1, beta1)
    h = jax.nn.relu(h)
    xs0 = h
    # layer 2 (last conv, no BN/act)
    xs1 = _gcn_conv(h, src, dst, W2, b2, norm_A)
    # JumpingKnowledge 'max': elementwise max across layer outputs
    x_jk = jnp.maximum(xs0, xs1)
    out = x_jk @ Wp + bp
    return jax.nn.log_softmax(out, axis=1)

if __name__ == "__main__":
    import jax
    _d = setup_inputs()
    print(jax.jit(kernel)(*tuple(_d.values())))

</pallas_src>

<mosaic_0001>
#map = affine_map<(d0, d1) -> (0, 0)>
#map1 = affine_map<(d0, d1) -> (0, 0, 0, 0)>
#map2 = affine_map<(d0, d1) -> (0, 0, 0)>
module attributes {stable_mosaic.version = 14 : i64} {
  func.func @seg_sum(%arg0: i32, %arg1: i32, %arg2: memref<10240x128xf32, #tpu.memory_space<hbm>>, %arg3: memref<32x10240xi32, #tpu.memory_space<hbm>>, %arg4: memref<32x10x8x128xi32, #tpu.memory_space<hbm>>, %arg5: memref<32x10x8x128xf32, #tpu.memory_space<hbm>>, %arg6: memref<2x10240x128xf32, #tpu.memory_space<hbm>>, %arg7: memref<10240xi32, #tpu.memory_space<vmem>>, %arg8: memref<8x128xi32, #tpu.memory_space<vmem>>, %arg9: memref<8x128xf32, #tpu.memory_space<vmem>>, %arg10: memref<128x128xf32, #tpu.memory_space<vmem>>, %arg11: memref<10240x128xf32, #tpu.memory_space<vmem_shared>>, %arg12: memref<!tpu.dma_semaphore, #tpu.memory_space<semaphore_mem>>) attributes {dimension_semantics = [#tpu.dimension_semantics<core_parallel>, #tpu.dimension_semantics<subcore_parallel>], iteration_bounds = array<i64: 2, 16>, scalar_prefetch = 0 : i64, scratch_operands = 6 : i64, tpu.core_type = #tpu.core_type<sc_vector_subcore>, window_params = [{transform_indices = #map}, {transform_indices = #map}, {transform_indices = #map1}, {transform_indices = #map1}, {transform_indices = #map2}]} {
    %mul3A = arith.constant 16 : i32
    %mul3A_0 = arith.muli %arg0, %mul3A : i32
    %add3A = arith.addi %mul3A_0, %arg1 : i32
    "tpu.region"() ({
      %run_scoped3A = tpu.sem_alloc : memref<!tpu.dma_semaphore, #tpu.memory_space<semaphore_mem>>
      %dma_start3A = arith.constant 0 : i32
      %dma_start3A_24 = tpu.memref_slice %arg3[%add3A, %dma_start3A] : memref<32x10240xi32, #tpu.memory_space<hbm>> -> memref<1x10240xi32, #tpu.memory_space<hbm>>
      %dma_start3A_25 = tpu.memref_squeeze %dma_start3A_24 : memref<1x10240xi32, #tpu.memory_space<hbm>> -> memref<10240xi32, #tpu.memory_space<hbm>>
      %dma_start3A_26 = arith.constant 0 : i32
      %dma_start3A_27 = tpu.memref_slice %arg3[%add3A, %dma_start3A_26] : memref<32x10240xi32, #tpu.memory_space<hbm>> -> memref<1x10240xi32, #tpu.memory_space<hbm>>
      %dma_start3A_28 = tpu.memref_squeeze %dma_start3A_27 : memref<1x10240xi32, #tpu.memory_space<hbm>> -> memref<10240xi32, #tpu.memory_space<hbm>>
      tpu.enqueue_dma source(%dma_start3A_28 : memref<10240xi32, #tpu.memory_space<hbm>>) target(%arg7 : memref<10240xi32, #tpu.memory_space<vmem>>) target_semaphore(%run_scoped3A : memref<!tpu.dma_semaphore, #tpu.memory_space<semaphore_mem>>)
      %dma_wait3A = arith.constant 0 : i32
      %dma_wait3A_29 = tpu.memref_slice %arg3[%add3A, %dma_wait3A] : memref<32x10240xi32, #tpu.memory_space<hbm>> -> memref<1x10240xi32, #tpu.memory_space<hbm>>
      %dma_wait3A_30 = tpu.memref_squeeze %dma_wait3A_29 : memref<1x10240xi32, #tpu.memory_space<hbm>> -> memref<10240xi32, #tpu.memory_space<hbm>>
      %dma_wait3A_31 = arith.constant 0 : i32
      %dma_wait3A_32 = tpu.memref_slice %arg3[%add3A, %dma_wait3A_31] : memref<32x10240xi32, #tpu.memory_space<hbm>> -> memref<1x10240xi32, #tpu.memory_space<hbm>>
      %dma_wait3A_33 = tpu.memref_squeeze %dma_wait3A_32 : memref<1x10240xi32, #tpu.memory_space<hbm>> -> memref<10240xi32, #tpu.memory_space<hbm>>
      tpu.wait_dma2 semaphore(%run_scoped3A : memref<!tpu.dma_semaphore, #tpu.memory_space<semaphore_mem>>) src(%dma_wait3A_33 : memref<10240xi32, #tpu.memory_space<hbm>>) dst(%arg7 : memref<10240xi32, #tpu.memory_space<vmem>>)
      tpu.yield
    }) : () -> ()
    %broadcast_in_dim3A = arith.constant 0.000000e+00 : f32
    %broadcast_in_dim3A_1 = vector.broadcast %broadcast_in_dim3A : f32 to vector<16xf32>
    %scan3A = arith.constant 0 : i32
    %scan3A_2 = arith.constant 128 : i32
    %scan3A_3 = arith.addi %scan3A, %scan3A_2 : i32
    %scan3A_4 = arith.constant 1 : i32
    scf.for %scan3A_24 = %scan3A to %scan3A_3 step %scan3A_4  : i32 {
      %mul3A_25 = arith.constant 1 : i32
      %mul3A_26 = arith.muli %scan3A_24, %mul3A_25 : i32
      %add3A_27 = arith.constant 0 : i32
      %add3A_28 = arith.addi %add3A_27, %mul3A_26 : i32
      %swap3A = arith.index_cast %add3A_28 : i32 to index
      %swap3A_29 = arith.constant 0 : index
      %swap3A_30 = tpu.vector_load %arg10[%swap3A, %swap3A_29] {strides = array<i32>} : memref<128x128xf32, #tpu.memory_space<vmem>>, vector<16xf32>,
      tpu.vector_store %arg10[%swap3A, %swap3A_29], %broadcast_in_dim3A_1 {strides = array<i32>} : memref<128x128xf32, #tpu.memory_space<vmem>>, vector<16xf32>,
      %swap3A_31 = arith.index_cast %add3A_28 : i32 to index
      %swap3A_32 = arith.constant 16 : index
      %swap3A_33 = tpu.vector_load %arg10[%swap3A_31, %swap3A_32] {strides = array<i32>} : memref<128x128xf32, #tpu.memory_space<vmem>>, vector<16xf32>,
      tpu.vector_store %arg10[%swap3A_31, %swap3A_32], %broadcast_in_dim3A_1 {strides = array<i32>} : memref<128x128xf32, #tpu.memory_space<vmem>>, vector<16xf32>,
      %swap3A_34 = arith.index_cast %add3A_28 : i32 to index
      %swap3A_35 = arith.constant 32 : index
      %swap3A_36 = tpu.vector_load %arg10[%swap3A_34, %swap3A_35] {strides = array<i32>} : memref<128x128xf32, #tpu.memory_space<vmem>>, vector<16xf32>,
      tpu.vector_store %arg10[%swap3A_34, %swap3A_35], %broadcast_in_dim3A_1 {strides = array<i32>} : memref<128x128xf32, #tpu.memory_space<vmem>>, vector<16xf32>,
      %swap3A_37 = arith.index_cast %add3A_28 : i32 to index
      %swap3A_38 = arith.constant 48 : index
      %swap3A_39 = tpu.vector_load %arg10[%swap3A_37, %swap3A_38] {strides = array<i32>} : memref<128x128xf32, #tpu.memory_space<vmem>>, vector<16xf32>,
      tpu.vector_store %arg10[%swap3A_37, %swap3A_38], %broadcast_in_dim3A_1 {strides = array<i32>} : memref<128x128xf32, #tpu.memory_space<vmem>>, vector<16xf32>,
      %swap3A_40 = arith.index_cast %add3A_28 : i32 to index
      %swap3A_41 = arith.constant 64 : index
      %swap3A_42 = tpu.vector_load %arg10[%swap3A_40, %swap3A_41] {strides = array<i32>} : memref<128x128xf32, #tpu.memory_space<vmem>>, vector<16xf32>,
      tpu.vector_store %arg10[%swap3A_40, %swap3A_41], %broadcast_in_dim3A_1 {strides = array<i32>} : memref<128x128xf32, #tpu.memory_space<vmem>>, vector<16xf32>,
      %swap3A_43 = arith.index_cast %add3A_28 : i32 to index
      %swap3A_44 = arith.constant 80 : index
      %swap3A_45 = tpu.vector_load %arg10[%swap3A_43, %swap3A_44] {strides = array<i32>} : memref<128x128xf32, #tpu.memory_space<vmem>>, vector<16xf32>,
      tpu.vector_store %arg10[%swap3A_43, %swap3A_44], %broadcast_in_dim3A_1 {strides = array<i32>} : memref<128x128xf32, #tpu.memory_space<vmem>>, vector<16xf32>,
      %swap3A_46 = arith.index_cast %add3A_28 : i32 to index
      %swap3A_47 = arith.constant 96 : index
      %swap3A_48 = tpu.vector_load %arg10[%swap3A_46, %swap3A_47] {strides = array<i32>} : memref<128x128xf32, #tpu.memory_space<vmem>>, vector<16xf32>,
      tpu.vector_store %arg10[%swap3A_46, %swap3A_47], %broadcast_in_dim3A_1 {strides = array<i32>} : memref<128x128xf32, #tpu.memory_space<vmem>>, vector<16xf32>,
      %swap3A_49 = arith.index_cast %add3A_28 : i32 to index
      %swap3A_50 = arith.constant 112 : index
      %swap3A_51 = tpu.vector_load %arg10[%swap3A_49, %swap3A_50] {strides = array<i32>} : memref<128x128xf32, #tpu.memory_space<vmem>>, vector<16xf32>,
      tpu.vector_store %arg10[%swap3A_49, %swap3A_50], %broadcast_in_dim3A_1 {strides = array<i32>} : memref<128x128xf32, #tpu.memory_space<vmem>>, vector<16xf32>,
    }
    %scan3A_5 = arith.constant 128 : i32
    %mul3A_6 = arith.constant 640 : i32
    %mul3A_7 = arith.muli %arg1, %mul3A_6 : i32
    %add3A_8 = arith.constant 0 : i32
    %add3A_9 = arith.addi %mul3A_7, %add3A_8 : i32
    "tpu.region"() ({
      %run_scoped3A = tpu.sem_alloc : memref<!tpu.dma_semaphore, #tpu.memory_space<semaphore_mem>>
      %dma_start3A = arith.constant 0 : i32
      %dma_start3A_24 = tpu.memref_slice %arg11[%add3A_9, %dma_start3A] : memref<10240x128xf32, #tpu.memory_space<vmem_shared>> -> memref<128x128xf32, #tpu.memory_space<vmem_shared>>
      %dma_start3A_25 = arith.constant 0 : i32
      %dma_start3A_26 = tpu.memref_slice %arg11[%add3A_9, %dma_start3A_25] : memref<10240x128xf32, #tpu.memory_space<vmem_shared>> -> memref<128x128xf32, #tpu.memory_space<vmem_shared>>
      tpu.enqueue_dma source(%arg10 : memref<128x128xf32, #tpu.memory_space<vmem>>) target(%dma_start3A_26 : memref<128x128xf32, #tpu.memory_space<vmem_shared>>) target_semaphore(%run_scoped3A : memref<!tpu.dma_semaphore, #tpu.memory_space<semaphore_mem>>)
      %dma_wait3A = arith.constant 0 : i32
      %dma_wait3A_27 = tpu.memref_slice %arg11[%add3A_9, %dma_wait3A] : memref<10240x128xf32, #tpu.memory_space<vmem_shared>> -> memref<128x128xf32, #tpu.memory_space<vmem_shared>>
      %dma_wait3A_28 = arith.constant 0 : i32
      %dma_wait3A_29 = tpu.memref_slice %arg11[%add3A_9, %dma_wait3A_28] : memref<10240x128xf32, #tpu.memory_space<vmem_shared>> -> memref<128x128xf32, #tpu.memory_space<vmem_shared>>
      tpu.wait_dma2 semaphore(%run_scoped3A : memref<!tpu.dma_semaphore, #tpu.memory_space<semaphore_mem>>) src(%arg10 : memref<128x128xf32, #tpu.memory_space<vmem>>) dst(%dma_wait3A_29 : memref<128x128xf32, #tpu.memory_space<vmem_shared>>)
      tpu.yield
    }) : () -> ()
    %add3A_10 = arith.constant 128 : i32
    %add3A_11 = arith.addi %mul3A_7, %add3A_10 : i32
    "tpu.region"() ({
      %run_scoped3A = tpu.sem_alloc : memref<!tpu.dma_semaphore, #tpu.memory_space<semaphore_mem>>
      %dma_start3A = arith.constant 0 : i32
      %dma_start3A_24 = tpu.memref_slice %arg11[%add3A_11, %dma_start3A] : memref<10240x128xf32, #tpu.memory_space<vmem_shared>> -> memref<128x128xf32, #tpu.memory_space<vmem_shared>>
      %dma_start3A_25 = arith.constant 0 : i32
      %dma_start3A_26 = tpu.memref_slice %arg11[%add3A_11, %dma_start3A_25] : memref<10240x128xf32, #tpu.memory_space<vmem_shared>> -> memref<128x128xf32, #tpu.memory_space<vmem_shared>>
      tpu.enqueue_dma source(%arg10 : memref<128x128xf32, #tpu.memory_space<vmem>>) target(%dma_start3A_26 : memref<128x128xf32, #tpu.memory_space<vmem_shared>>) target_semaphore(%run_scoped3A : memref<!tpu.dma_semaphore, #tpu.memory_space<semaphore_mem>>)
      %dma_wait3A = arith.constant 0 : i32
      %dma_wait3A_27 = tpu.memref_slice %arg11[%add3A_11, %dma_wait3A] : memref<10240x128xf32, #tpu.memory_space<vmem_shared>> -> memref<128x128xf32, #tpu.memory_space<vmem_shared>>
      %dma_wait3A_28 = arith.constant 0 : i32
      %dma_wait3A_29 = tpu.memref_slice %arg11[%add3A_11, %dma_wait3A_28] : memref<10240x128xf32, #tpu.memory_space<vmem_shared>> -> memref<128x128xf32, #tpu.memory_space<vmem_shared>>
      tpu.wait_dma2 semaphore(%run_scoped3A : memref<!tpu.dma_semaphore, #tpu.memory_space<semaphore_mem>>) src(%arg10 : memref<128x128xf32, #tpu.memory_space<vmem>>) dst(%dma_wait3A_29 : memref<128x128xf32, #tpu.memory_space<vmem_shared>>)
      tpu.yield
    }) : () -> ()
    %add3A_12 = arith.constant 256 : i32
    %add3A_13 = arith.addi %mul3A_7, %add3A_12 : i32
    "tpu.region"() ({
      %run_scoped3A = tpu.sem_alloc : memref<!tpu.dma_semaphore, #tpu.memory_space<semaphore_mem>>
      %dma_start3A = arith.constant 0 : i32
      %dma_start3A_24 = tpu.memref_slice %arg11[%add3A_13, %dma_start3A] : memref<10240x128xf32, #tpu.memory_space<vmem_shared>> -> memref<128x128xf32, #tpu.memory_space<vmem_shared>>
      %dma_start3A_25 = arith.constant 0 : i32
      %dma_start3A_26 = tpu.memref_slice %arg11[%add3A_13, %dma_start3A_25] : memref<10240x128xf32, #tpu.memory_space<vmem_shared>> -> memref<128x128xf32, #tpu.memory_space<vmem_shared>>
      tpu.enqueue_dma source(%arg10 : memref<128x128xf32, #tpu.memory_space<vmem>>) target(%dma_start3A_26 : memref<128x128xf32, #tpu.memory_space<vmem_shared>>) target_semaphore(%run_scoped3A : memref<!tpu.dma_semaphore, #tpu.memory_space<semaphore_mem>>)
      %dma_wait3A = arith.constant 0 : i32
      %dma_wait3A_27 = tpu.memref_slice %arg11[%add3A_13, %dma_wait3A] : memref<10240x128xf32, #tpu.memory_space<vmem_shared>> -> memref<128x128xf32, #tpu.memory_space<vmem_shared>>
      %dma_wait3A_28 = arith.constant 0 : i32
      %dma_wait3A_29 = tpu.memref_slice %arg11[%add3A_13, %dma_wait3A_28] : memref<10240x128xf32, #tpu.memory_space<vmem_shared>> -> memref<128x128xf32, #tpu.memory_space<vmem_shared>>
      tpu.wait_dma2 semaphore(%run_scoped3A : memref<!tpu.dma_semaphore, #tpu.memory_space<semaphore_mem>>) src(%arg10 : memref<128x128xf32, #tpu.memory_space<vmem>>) dst(%dma_wait3A_29 : memref<128x128xf32, #tpu.memory_space<vmem_shared>>)
      tpu.yield
    }) : () -> ()
    %add3A_14 = arith.constant 384 : i32
    %add3A_15 = arith.addi %mul3A_7, %add3A_14 : i32
    "tpu.region"() ({
      %run_scoped3A = tpu.sem_alloc : memref<!tpu.dma_semaphore, #tpu.memory_space<semaphore_mem>>
      %dma_start3A = arith.constant 0 : i32
      %dma_start3A_24 = tpu.memref_slice %arg11[%add3A_15, %dma_start3A] : memref<10240x128xf32, #tpu.memory_space<vmem_shared>> -> memref<128x128xf32, #tpu.memory_space<vmem_shared>>
      %dma_start3A_25 = arith.constant 0 : i32
      %dma_start3A_26 = tpu.memref_slice %arg11[%add3A_15, %dma_start3A_25] : memref<10240x128xf32, #tpu.memory_space<vmem_shared>> -> memref<128x128xf32, #tpu.memory_space<vmem_shared>>
      tpu.enqueue_dma source(%arg10 : memref<128x128xf32, #tpu.memory_space<vmem>>) target(%dma_start3A_26 : memref<128x128xf32, #tpu.memory_space<vmem_shared>>) target_semaphore(%run_scoped3A : memref<!tpu.dma_semaphore, #tpu.memory_space<semaphore_mem>>)
      %dma_wait3A = arith.constant 0 : i32
      %dma_wait3A_27 = tpu.memref_slice %arg11[%add3A_15, %dma_wait3A] : memref<10240x128xf32, #tpu.memory_space<vmem_shared>> -> memref<128x128xf32, #tpu.memory_space<vmem_shared>>
      %dma_wait3A_28 = arith.constant 0 : i32
      %dma_wait3A_29 = tpu.memref_slice %arg11[%add3A_15, %dma_wait3A_28] : memref<10240x128xf32, #tpu.memory_space<vmem_shared>> -> memref<128x128xf32, #tpu.memory_space<vmem_shared>>
      tpu.wait_dma2 semaphore(%run_scoped3A : memref<!tpu.dma_semaphore, #tpu.memory_space<semaphore_mem>>) src(%arg10 : memref<128x128xf32, #tpu.memory_space<vmem>>) dst(%dma_wait3A_29 : memref<128x128xf32, #tpu.memory_space<vmem_shared>>)
      tpu.yield
    }) : () -> ()
    %add3A_16 = arith.constant 512 : i32
    %add3A_17 = arith.addi %mul3A_7, %add3A_16 : i32
    "tpu.region"() ({
      %run_scoped3A = tpu.sem_alloc : memref<!tpu.dma_semaphore, #tpu.memory_space<semaphore_mem>>
      %dma_start3A = arith.constant 0 : i32
      %dma_start3A_24 = tpu.memref_slice %arg11[%add3A_17, %dma_start3A] : memref<10240x128xf32, #tpu.memory_space<vmem_shared>> -> memref<128x128xf32, #tpu.memory_space<vmem_shared>>
      %dma_start3A_25 = arith.constant 0 : i32
      %dma_start3A_26 = tpu.memref_slice %arg11[%add3A_17, %dma_start3A_25] : memref<10240x128xf32, #tpu.memory_space<vmem_shared>> -> memref<128x128xf32, #tpu.memory_space<vmem_shared>>
      tpu.enqueue_dma source(%arg10 : memref<128x128xf32, #tpu.memory_space<vmem>>) target(%dma_start3A_26 : memref<128x128xf32, #tpu.memory_space<vmem_shared>>) target_semaphore(%run_scoped3A : memref<!tpu.dma_semaphore, #tpu.memory_space<semaphore_mem>>)
      %dma_wait3A = arith.constant 0 : i32
      %dma_wait3A_27 = tpu.memref_slice %arg11[%add3A_17, %dma_wait3A] : memref<10240x128xf32, #tpu.memory_space<vmem_shared>> -> memref<128x128xf32, #tpu.memory_space<vmem_shared>>
      %dma_wait3A_28 = arith.constant 0 : i32
      %dma_wait3A_29 = tpu.memref_slice %arg11[%add3A_17, %dma_wait3A_28] : memref<10240x128xf32, #tpu.memory_space<vmem_shared>> -> memref<128x128xf32, #tpu.memory_space<vmem_shared>>
      tpu.wait_dma2 semaphore(%run_scoped3A : memref<!tpu.dma_semaphore, #tpu.memory_space<semaphore_mem>>) src(%arg10 : memref<128x128xf32, #tpu.memory_space<vmem>>) dst(%dma_wait3A_29 : memref<128x128xf32, #tpu.memory_space<vmem_shared>>)
      tpu.yield
    }) : () -> ()
    %barrier3A = arith.constant 0 : index
    tpu.barrier barrier_id(%barrier3A)
    %scan3A_18 = arith.constant 0 : i32
    %scan3A_19 = arith.constant 10 : i32
    %scan3A_20 = arith.addi %scan3A_18, %scan3A_19 : i32
    %scan3A_21 = arith.constant 1 : i32
    scf.for %scan3A_24 = %scan3A_18 to %scan3A_20 step %scan3A_21  : i32 {
      %mul3A_25 = arith.constant 1 : i32
      %mul3A_26 = arith.muli %scan3A_24, %mul3A_25 : i32
      %add3A_27 = arith.constant 0 : i32
      %add3A_28 = arith.addi %add3A_27, %mul3A_26 : i32
      "tpu.region"() ({
        %run_scoped3A = tpu.sem_alloc : memref<!tpu.dma_semaphore, #tpu.memory_space<semaphore_mem>>
        %dma_start3A = arith.constant 0 : i32
        %dma_start3A_34 = arith.constant 0 : i32
        %dma_start3A_35 = tpu.memref_slice %arg4[%add3A, %add3A_28, %dma_start3A, %dma_start3A_34] : memref<32x10x8x128xi32, #tpu.memory_space<hbm>> -> memref<1x1x8x128xi32, #tpu.memory_space<hbm>>
        %dma_start3A_36 = tpu.memref_squeeze %dma_start3A_35 : memref<1x1x8x128xi32, #tpu.memory_space<hbm>> -> memref<8x128xi32, #tpu.memory_space<hbm>>
        %dma_start3A_37 = arith.constant 0 : i32
        %dma_start3A_38 = arith.constant 0 : i32
        %dma_start3A_39 = tpu.memref_slice %arg4[%add3A, %add3A_28, %dma_start3A_37, %dma_start3A_38] : memref<32x10x8x128xi32, #tpu.memory_space<hbm>> -> memref<1x1x8x128xi32, #tpu.memory_space<hbm>>
        %dma_start3A_40 = tpu.memref_squeeze %dma_start3A_39 : memref<1x1x8x128xi32, #tpu.memory_space<hbm>> -> memref<8x128xi32, #tpu.memory_space<hbm>>
        tpu.enqueue_dma source(%dma_start3A_40 : memref<8x128xi32, #tpu.memory_space<hbm>>) target(%arg8 : memref<8x128xi32, #tpu.memory_space<vmem>>) target_semaphore(%run_scoped3A : memref<!tpu.dma_semaphore, #tpu.memory_space<semaphore_mem>>)
        %dma_wait3A = arith.constant 0 : i32
        %dma_wait3A_41 = arith.constant 0 : i32
        %dma_wait3A_42 = tpu.memref_slice %arg4[%add3A, %add3A_28, %dma_wait3A, %dma_wait3A_41] : memref<32x10x8x128xi32, #tpu.memory_space<hbm>> -> memref<1x1x8x128xi32, #tpu.memory_space<hbm>>
        %dma_wait3A_43 = tpu.memref_squeeze %dma_wait3A_42 : memref<1x1x8x128xi32, #tpu.memory_space<hbm>> -> memref<8x128xi32, #tpu.memory_space<hbm>>
        %dma_wait3A_44 = arith.constant 0 : i32
        %dma_wait3A_45 = arith.constant 0 : i32
        %dma_wait3A_46 = tpu.memref_slice %arg4[%add3A, %add3A_28, %dma_wait3A_44, %dma_wait3A_45] : memref<32x10x8x128xi32, #tpu.memory_space<hbm>> -> memref<1x1x8x128xi32, #tpu.memory_space<hbm>>
        %dma_wait3A_47 = tpu.memref_squeeze %dma_wait3A_46 : memref<1x1x8x128xi32, #tpu.memory_space<hbm>> -> memref<8x128xi32, #tpu.memory_space<hbm>>
        tpu.wait_dma2 semaphore(%run_scoped3A : memref<!tpu.dma_semaphore, #tpu.memory_space<semaphore_mem>>) src(%dma_wait3A_47 : memref<8x128xi32, #tpu.memory_space<hbm>>) dst(%arg8 : memref<8x128xi32, #tpu.memory_space<vmem>>)
        tpu.yield
      }) : () -> ()
      "tpu.region"() ({
        %run_scoped3A = tpu.sem_alloc : memref<!tpu.dma_semaphore, #tpu.memory_space<semaphore_mem>>
        %dma_start3A = arith.constant 0 : i32
        %dma_start3A_34 = arith.constant 0 : i32
        %dma_start3A_35 = tpu.memref_slice %arg5[%add3A, %add3A_28, %dma_start3A, %dma_start3A_34] : memref<32x10x8x128xf32, #tpu.memory_space<hbm>> -> memref<1x1x8x128xf32, #tpu.memory_space<hbm>>
        %dma_start3A_36 = tpu.memref_squeeze %dma_start3A_35 : memref<1x1x8x128xf32, #tpu.memory_space<hbm>> -> memref<8x128xf32, #tpu.memory_space<hbm>>
        %dma_start3A_37 = arith.constant 0 : i32
        %dma_start3A_38 = arith.constant 0 : i32
        %dma_start3A_39 = tpu.memref_slice %arg5[%add3A, %add3A_28, %dma_start3A_37, %dma_start3A_38] : memref<32x10x8x128xf32, #tpu.memory_space<hbm>> -> memref<1x1x8x128xf32, #tpu.memory_space<hbm>>
        %dma_start3A_40 = tpu.memref_squeeze %dma_start3A_39 : memref<1x1x8x128xf32, #tpu.memory_space<hbm>> -> memref<8x128xf32, #tpu.memory_space<hbm>>
        tpu.enqueue_dma source(%dma_start3A_40 : memref<8x128xf32, #tpu.memory_space<hbm>>) target(%arg9 : memref<8x128xf32, #tpu.memory_space<vmem>>) target_semaphore(%run_scoped3A : memref<!tpu.dma_semaphore, #tpu.memory_space<semaphore_mem>>)
        %dma_wait3A = arith.constant 0 : i32
        %dma_wait3A_41 = arith.constant 0 : i32
        %dma_wait3A_42 = tpu.memref_slice %arg5[%add3A, %add3A_28, %dma_wait3A, %dma_wait3A_41] : memref<32x10x8x128xf32, #tpu.memory_space<hbm>> -> memref<1x1x8x128xf32, #tpu.memory_space<hbm>>
        %dma_wait3A_43 = tpu.memref_squeeze %dma_wait3A_42 : memref<1x1x8x128xf32, #tpu.memory_space<hbm>> -> memref<8x128xf32, #tpu.memory_space<hbm>>
        %dma_wait3A_44 = arith.constant 0 : i32
        %dma_wait3A_45 = arith.constant 0 : i32
        %dma_wait3A_46 = tpu.memref_slice %arg5[%add3A, %add3A_28, %dma_wait3A_44, %dma_wait3A_45] : memref<32x10x8x128xf32, #tpu.memory_space<hbm>> -> memref<1x1x8x128xf32, #tpu.memory_space<hbm>>
        %dma_wait3A_47 = tpu.memref_squeeze %dma_wait3A_46 : memref<1x1x8x128xf32, #tpu.memory_space<hbm>> -> memref<8x128xf32, #tpu.memory_space<hbm>>
        tpu.wait_dma2 semaphore(%run_scoped3A : memref<!tpu.dma_semaphore, #tpu.memory_space<semaphore_mem>>) src(%dma_wait3A_47 : memref<8x128xf32, #tpu.memory_space<hbm>>) dst(%arg9 : memref<8x128xf32, #tpu.memory_space<vmem>>)
        tpu.yield
      }) : () -> ()
      %scan3A_29 = arith.constant 0 : i32
      %scan3A_30 = arith.constant 8 : i32
      %scan3A_31 = arith.addi %scan3A_29, %scan3A_30 : i32
      %scan3A_32 = arith.constant 1 : i32
      scf.for %scan3A_34 = %scan3A_29 to %scan3A_31 step %scan3A_32  : i32 {
        %mul3A_35 = arith.constant 1 : i32
        %mul3A_36 = arith.muli %scan3A_34, %mul3A_35 : i32
        %add3A_37 = arith.constant 0 : i32
        %add3A_38 = arith.addi %add3A_37, %mul3A_36 : i32
        %mul3A_39 = arith.constant 8 : i32
        %mul3A_40 = arith.muli %add3A_28, %mul3A_39 : i32
        %add3A_41 = arith.addi %mul3A_40, %add3A_38 : i32
        %mul3A_42 = arith.constant 128 : i32
        %mul3A_43 = arith.muli %add3A_41, %mul3A_42 : i32
        %dma_start3A = tpu.memref_slice %arg7[%mul3A_43] : memref<10240xi32, #tpu.memory_space<vmem>> -> memref<128xi32, #tpu.memory_space<vmem>>
        %dma_start3A_44 = arith.constant 0 : i32
        %dma_start3A_45 = arith.constant 0 : i32
        %dma_start3A_46 = tpu.memref_slice %arg2[%dma_start3A_44, %dma_start3A_45] : memref<10240x128xf32, #tpu.memory_space<hbm>> -> memref<10240x128xf32, #tpu.memory_space<hbm>>
        tpu.enqueue_indirect_dma source(%dma_start3A_46 : memref<10240x128xf32, #tpu.memory_space<hbm>>) target(%arg10 : memref<128x128xf32, #tpu.memory_space<vmem>>) offsets(%dma_start3A : memref<128xi32, #tpu.memory_space<vmem>>) semaphore(%arg12 : memref<!tpu.dma_semaphore, #tpu.memory_space<semaphore_mem>>)
        %dma_wait3A = tpu.memref_slice %arg7[%mul3A_43] : memref<10240xi32, #tpu.memory_space<vmem>> -> memref<128xi32, #tpu.memory_space<vmem>>
        %dma_wait3A_47 = arith.constant 0 : i32
        %dma_wait3A_48 = arith.constant 0 : i32
        %dma_wait3A_49 = tpu.memref_slice %arg2[%dma_wait3A_47, %dma_wait3A_48] : memref<10240x128xf32, #tpu.memory_space<hbm>> -> memref<10240x128xf32, #tpu.memory_space<hbm>>
        tpu.wait_indirect_dma semaphore(%arg12 : memref<!tpu.dma_semaphore, #tpu.memory_space<semaphore_mem>>) src(%dma_wait3A_49 : memref<10240x128xf32, #tpu.memory_space<hbm>>) dst(%arg10 : memref<128x128xf32, #tpu.memory_space<vmem>>)
        %scan3A_50 = arith.constant 0 : i32
        %scan3A_51 = arith.constant 128 : i32
        %scan3A_52 = arith.addi %scan3A_50, %scan3A_51 : i32
        %scan3A_53 = arith.constant 1 : i32
        scf.for %scan3A_55 = %scan3A_50 to %scan3A_52 step %scan3A_53  : i32 {
          %mul3A_56 = arith.constant 1 : i32
          %mul3A_57 = arith.muli %scan3A_55, %mul3A_56 : i32
          %add3A_58 = arith.constant 0 : i32
          %add3A_59 = arith.addi %add3A_58, %mul3A_57 : i32
          %broadcast_in_dim3A_60 = vector.broadcast %add3A_38 : i32 to vector<16xi32>
          %broadcast_in_dim3A_61 = vector.broadcast %add3A_59 : i32 to vector<16xi32>
          %gather3A = tpu.vector_load_idx %arg9[%broadcast_in_dim3A_60, %broadcast_in_dim3A_61] : memref<8x128xf32, #tpu.memory_space<vmem>>[vector<16xi32>, vector<16xi32>], vector<16xf32>,
          %get3A = arith.index_cast %add3A_59 : i32 to index
          %get3A_62 = arith.constant 0 : index
          %get3A_63 = tpu.vector_load %arg10[%get3A, %get3A_62] {strides = array<i32>} : memref<128x128xf32, #tpu.memory_space<vmem>>, vector<16xf32>,
          %mul3A_64 = arith.mulf %get3A_63, %gather3A : vector<16xf32>
          %swap3A = arith.index_cast %add3A_59 : i32 to index
          %swap3A_65 = arith.constant 0 : index
          %swap3A_66 = tpu.vector_load %arg10[%swap3A, %swap3A_65] {strides = array<i32>} : memref<128x128xf32, #tpu.memory_space<vmem>>, vector<16xf32>,
          tpu.vector_store %arg10[%swap3A, %swap3A_65], %mul3A_64 {strides = array<i32>} : memref<128x128xf32, #tpu.memory_space<vmem>>, vector<16xf32>,
          %get3A_67 = arith.index_cast %add3A_59 : i32 to index
          %get3A_68 = arith.constant 16 : index
          %get3A_69 = tpu.vector_load %arg10[%get3A_67, %get3A_68] {strides = array<i32>} : memref<128x128xf32, #tpu.memory_space<vmem>>, vector<16xf32>,
          %mul3A_70 = arith.mulf %get3A_69, %gather3A : vector<16xf32>
          %swap3A_71 = arith.index_cast %add3A_59 : i32 to index
          %swap3A_72 = arith.constant 16 : index
          %swap3A_73 = tpu.vector_load %arg10[%swap3A_71, %swap3A_72] {strides = array<i32>} : memref<128x128xf32, #tpu.memory_space<vmem>>, vector<16xf32>,
          tpu.vector_store %arg10[%swap3A_71, %swap3A_72], %mul3A_70 {strides = array<i32>} : memref<128x128xf32, #tpu.memory_space<vmem>>, vector<16xf32>,
          %get3A_74 = arith.index_cast %add3A_59 : i32 to index
          %get3A_75 = arith.constant 32 : index
          %get3A_76 = tpu.vector_load %arg10[%get3A_74, %get3A_75] {strides = array<i32>} : memref<128x128xf32, #tpu.memory_space<vmem>>, vector<16xf32>,
          %mul3A_77 = arith.mulf %get3A_76, %gather3A : vector<16xf32>
          %swap3A_78 = arith.index_cast %add3A_59 : i32 to index
          %swap3A_79 = arith.constant 32 : index
          %swap3A_80 = tpu.vector_load %arg10[%swap3A_78, %swap3A_79] {strides = array<i32>} : memref<128x128xf32, #tpu.memory_space<vmem>>, vector<16xf32>,
          tpu.vector_store %arg10[%swap3A_78, %swap3A_79], %mul3A_77 {strides = array<i32>} : memref<128x128xf32, #tpu.memory_space<vmem>>, vector<16xf32>,
          %get3A_81 = arith.index_cast %add3A_59 : i32 to index
          %get3A_82 = arith.constant 48 : index
          %get3A_83 = tpu.vector_load %arg10[%get3A_81, %get3A_82] {strides = array<i32>} : memref<128x128xf32, #tpu.memory_space<vmem>>, vector<16xf32>,
          %mul3A_84 = arith.mulf %get3A_83, %gather3A : vector<16xf32>
          %swap3A_85 = arith.index_cast %add3A_59 : i32 to index
          %swap3A_86 = arith.constant 48 : index
          %swap3A_87 = tpu.vector_load %arg10[%swap3A_85, %swap3A_86] {strides = array<i32>} : memref<128x128xf32, #tpu.memory_space<vmem>>, vector<16xf32>,
          tpu.vector_store %arg10[%swap3A_85, %swap3A_86], %mul3A_84 {strides = array<i32>} : memref<128x128xf32, #tpu.memory_space<vmem>>, vector<16xf32>,
          %get3A_88 = arith.index_cast %add3A_59 : i32 to index
          %get3A_89 = arith.constant 64 : index
          %get3A_90 = tpu.vector_load %arg10[%get3A_88, %get3A_89] {strides = array<i32>} : memref<128x128xf32, #tpu.memory_space<vmem>>, vector<16xf32>,
          %mul3A_91 = arith.mulf %get3A_90, %gather3A : vector<16xf32>
          %swap3A_92 = arith.index_cast %add3A_59 : i32 to index
          %swap3A_93 = arith.constant 64 : index
          %swap3A_94 = tpu.vector_load %arg10[%swap3A_92, %swap3A_93] {strides = array<i32>} : memref<128x128xf32, #tpu.memory_space<vmem>>, vector<16xf32>,
          tpu.vector_store %arg10[%swap3A_92, %swap3A_93], %mul3A_91 {strides = array<i32>} : memref<128x128xf32, #tpu.memory_space<vmem>>, vector<16xf32>,
          %get3A_95 = arith.index_cast %add3A_59 : i32 to index
          %get3A_96 = arith.constant 80 : index
          %get3A_97 = tpu.vector_load %arg10[%get3A_95, %get3A_96] {strides = array<i32>} : memref<128x128xf32, #tpu.memory_space<vmem>>, vector<16xf32>,
          %mul3A_98 = arith.mulf %get3A_97, %gather3A : vector<16xf32>
          %swap3A_99 = arith.index_cast %add3A_59 : i32 to index
          %swap3A_100 = arith.constant 80 : index
          %swap3A_101 = tpu.vector_load %arg10[%swap3A_99, %swap3A_100] {strides = array<i32>} : memref<128x128xf32, #tpu.memory_space<vmem>>, vector<16xf32>,
          tpu.vector_store %arg10[%swap3A_99, %swap3A_100], %mul3A_98 {strides = array<i32>} : memref<128x128xf32, #tpu.memory_space<vmem>>, vector<16xf32>,
          %get3A_102 = arith.index_cast %add3A_59 : i32 to index
          %get3A_103 = arith.constant 96 : index
          %get3A_104 = tpu.vector_load %arg10[%get3A_102, %get3A_103] {strides = array<i32>} : memref<128x128xf32, #tpu.memory_space<vmem>>, vector<16xf32>,
          %mul3A_105 = arith.mulf %get3A_104, %gather3A : vector<16xf32>
          %swap3A_106 = arith.index_cast %add3A_59 : i32 to index
          %swap3A_107 = arith.constant 96 : index
          %swap3A_108 = tpu.vector_load %arg10[%swap3A_106, %swap3A_107] {strides = array<i32>} : memref<128x128xf32, #tpu.memory_space<vmem>>, vector<16xf32>,
          tpu.vector_store %arg10[%swap3A_106, %swap3A_107], %mul3A_105 {strides = array<i32>} : memref<128x128xf32, #tpu.memory_space<vmem>>, vector<16xf32>,
          %get3A_109 = arith.index_cast %add3A_59 : i32 to index
          %get3A_110 = arith.constant 112 : index
          %get3A_111 = tpu.vector_load %arg10[%get3A_109, %get3A_110] {strides = array<i32>} : memref<128x128xf32, #tpu.memory_space<vmem>>, vector<16xf32>,
          %mul3A_112 = arith.mulf %get3A_111, %gather3A : vector<16xf32>
          %swap3A_113 = arith.index_cast %add3A_59 : i32 to index
          %swap3A_114 = arith.constant 112 : index
          %swap3A_115 = tpu.vector_load %arg10[%swap3A_113, %swap3A_114] {strides = array<i32>} : memref<128x128xf32, #tpu.memory_space<vmem>>, vector<16xf32>,
          tpu.vector_store %arg10[%swap3A_113, %swap3A_114], %mul3A_112 {strides = array<i32>} : memref<128x128xf32, #tpu.memory_space<vmem>>, vector<16xf32>,
        }
        %scan3A_54 = arith.constant 128 : i32
        "tpu.region"() ({
          %run_scoped3A = tpu.sem_alloc : memref<!tpu.dma_semaphore, #tpu.memory_space<semaphore_mem>>
          %dma_start3A_55 = arith.constant 0 : i32
          %dma_start3A_56 = tpu.memref_slice %arg8[%add3A_38, %dma_start3A_55] : memref<8x128xi32, #tpu.memory_space<vmem>> -> memref<1x128xi32, #tpu.memory_space<vmem>>
          %dma_start3A_57 = tpu.memref_squeeze %dma_start3A_56 : memref<1x128xi32, #tpu.memory_space<vmem>> -> memref<128xi32, #tpu.memory_space<vmem>>
          %dma_start3A_58 = arith.constant 0 : i32
          %dma_start3A_59 = arith.constant 0 : i32
          %dma_start3A_60 = tpu.memref_slice %arg11[%dma_start3A_58, %dma_start3A_59] : memref<10240x128xf32, #tpu.memory_space<vmem_shared>> -> memref<10240x128xf32, #tpu.memory_space<vmem_shared>>
          tpu.enqueue_indirect_dma source(%arg10 : memref<128x128xf32, #tpu.memory_space<vmem>>) target(%dma_start3A_60 : memref<10240x128xf32, #tpu.memory_space<vmem_shared>>) offsets(%dma_start3A_57 : memref<128xi32, #tpu.memory_space<vmem>>) semaphore(%run_scoped3A : memref<!tpu.dma_semaphore, #tpu.memory_space<semaphore_mem>>) {add = true}
          %dma_wait3A_61 = arith.constant 0 : i32
          %dma_wait3A_62 = tpu.memref_slice %arg8[%add3A_38, %dma_wait3A_61] : memref<8x128xi32, #tpu.memory_space<vmem>> -> memref<1x128xi32, #tpu.memory_space<vmem>>
          %dma_wait3A_63 = tpu.memref_squeeze %dma_wait3A_62 : memref<1x128xi32, #tpu.memory_space<vmem>> -> memref<128xi32, #tpu.memory_space<vmem>>
          %dma_wait3A_64 = arith.constant 0 : i32
          %dma_wait3A_65 = arith.constant 0 : i32
          %dma_wait3A_66 = tpu.memref_slice %arg11[%dma_wait3A_64, %dma_wait3A_65] : memref<10240x128xf32, #tpu.memory_space<vmem_shared>> -> memref<10240x128xf32, #tpu.memory_space<vmem_shared>>
          tpu.wait_indirect_dma semaphore(%run_scoped3A : memref<!tpu.dma_semaphore, #tpu.memory_space<semaphore_mem>>) src(%arg10 : memref<128x128xf32, #tpu.memory_space<vmem>>) dst(%dma_wait3A_66 : memref<10240x128xf32, #tpu.memory_space<vmem_shared>>)
          tpu.yield
        }) : () -> ()
      }
      %scan3A_33 = arith.constant 8 : i32
    }
    %scan3A_22 = arith.constant 10 : i32
    %barrier3A_23 = arith.constant 0 : index
    tpu.barrier barrier_id(%barrier3A_23)
    "tpu.region"() ({
      %run_scoped3A = tpu.sem_alloc : memref<!tpu.dma_semaphore, #tpu.memory_space<semaphore_mem>>
      %dma_start3A = arith.constant 0 : i32
      %dma_start3A_24 = tpu.memref_slice %arg6[%arg0, %mul3A_7, %dma_start3A] : memref<2x10240x128xf32, #tpu.memory_space<hbm>> -> memref<1x640x128xf32, #tpu.memory_space<hbm>>
      %dma_start3A_25 = tpu.memref_squeeze %dma_start3A_24 : memref<1x640x128xf32, #tpu.memory_space<hbm>> -> memref<640x128xf32, #tpu.memory_space<hbm>>
      %dma_start3A_26 = arith.constant 0 : i32
      %dma_start3A_27 = tpu.memref_slice %arg11[%mul3A_7, %dma_start3A_26] : memref<10240x128xf32, #tpu.memory_space<vmem_shared>> -> memref<640x128xf32, #tpu.memory_space<vmem_shared>>
      tpu.enqueue_dma source(%dma_start3A_27 : memref<640x128xf32, #tpu.memory_space<vmem_shared>>) target(%dma_start3A_25 : memref<640x128xf32, #tpu.memory_space<hbm>>) target_semaphore(%run_scoped3A : memref<!tpu.dma_semaphore, #tpu.memory_space<semaphore_mem>>)
      %dma_wait3A = arith.constant 0 : i32
      %dma_wait3A_28 = tpu.memref_slice %arg6[%arg0, %mul3A_7, %dma_wait3A] : memref<2x10240x128xf32, #tpu.memory_space<hbm>> -> memref<1x640x128xf32, #tpu.memory_space<hbm>>
      %dma_wait3A_29 = tpu.memref_squeeze %dma_wait3A_28 : memref<1x640x128xf32, #tpu.memory_space<hbm>> -> memref<640x128xf32, #tpu.memory_space<hbm>>
      %dma_wait3A_30 = arith.constant 0 : i32
      %dma_wait3A_31 = tpu.memref_slice %arg11[%mul3A_7, %dma_wait3A_30] : memref<10240x128xf32, #tpu.memory_space<vmem_shared>> -> memref<640x128xf32, #tpu.memory_space<vmem_shared>>
      tpu.wait_dma2 semaphore(%run_scoped3A : memref<!tpu.dma_semaphore, #tpu.memory_space<semaphore_mem>>) src(%dma_wait3A_31 : memref<640x128xf32, #tpu.memory_space<vmem_shared>>) dst(%dma_wait3A_29 : memref<640x128xf32, #tpu.memory_space<hbm>>)
      tpu.yield
    }) : () -> ()
    return
  }
}

#map = affine_map<(d0, d1) -> (0, 0)>
#map1 = affine_map<(d0, d1) -> (0, 0, 0, 0)>
#map2 = affine_map<(d0, d1) -> (0, 0, 0)>
module attributes {stable_mosaic.version = 14 : i64} {
  func.func @seg_sum(%arg0: i32, %arg1: i32, %arg2: memref<10240x128xf32, #tpu.memory_space<hbm>>, %arg3: memref<32x10240xi32, #tpu.memory_space<hbm>>, %arg4: memref<32x10x8x128xi32, #tpu.memory_space<hbm>>, %arg5: memref<32x10x8x128xf32, #tpu.memory_space<hbm>>, %arg6: memref<2x10240x128xf32, #tpu.memory_space<hbm>>, %arg7: memref<10240xi32, #tpu.memory_space<vmem>>, %arg8: memref<8x128xi32, #tpu.memory_space<vmem>>, %arg9: memref<8x128xf32, #tpu.memory_space<vmem>>, %arg10: memref<128x128xf32, #tpu.memory_space<vmem>>, %arg11: memref<10240x128xf32, #tpu.memory_space<vmem_shared>>, %arg12: memref<!tpu.dma_semaphore, #tpu.memory_space<semaphore_mem>>) attributes {dimension_semantics = [#tpu.dimension_semantics<core_parallel>, #tpu.dimension_semantics<subcore_parallel>], iteration_bounds = array<i64: 2, 16>, scalar_prefetch = 0 : i64, scratch_operands = 6 : i64, tpu.core_type = #tpu.core_type<sc_vector_subcore>, window_params = [{transform_indices = #map}, {transform_indices = #map}, {transform_indices = #map1}, {transform_indices = #map1}, {transform_indices = #map2}]} {
    %mul3A = arith.constant 16 : i32
    %mul3A_0 = arith.muli %arg0, %mul3A : i32
    %add3A = arith.addi %mul3A_0, %arg1 : i32
    "tpu.region"() ({
      %run_scoped3A = tpu.sem_alloc : memref<!tpu.dma_semaphore, #tpu.memory_space<semaphore_mem>>
      %dma_start3A = arith.constant 0 : i32
      %dma_start3A_24 = tpu.memref_slice %arg3[%add3A, %dma_start3A] : memref<32x10240xi32, #tpu.memory_space<hbm>> -> memref<1x10240xi32, #tpu.memory_space<hbm>>
      %dma_start3A_25 = tpu.memref_squeeze %dma_start3A_24 : memref<1x10240xi32, #tpu.memory_space<hbm>> -> memref<10240xi32, #tpu.memory_space<hbm>>
      %dma_start3A_26 = arith.constant 0 : i32
      %dma_start3A_27 = tpu.memref_slice %arg3[%add3A, %dma_start3A_26] : memref<32x10240xi32, #tpu.memory_space<hbm>> -> memref<1x10240xi32, #tpu.memory_space<hbm>>
      %dma_start3A_28 = tpu.memref_squeeze %dma_start3A_27 : memref<1x10240xi32, #tpu.memory_space<hbm>> -> memref<10240xi32, #tpu.memory_space<hbm>>
      tpu.enqueue_dma source(%dma_start3A_28 : memref<10240xi32, #tpu.memory_space<hbm>>) target(%arg7 : memref<10240xi32, #tpu.memory_space<vmem>>) target_semaphore(%run_scoped3A : memref<!tpu.dma_semaphore, #tpu.memory_space<semaphore_mem>>)
      %dma_wait3A = arith.constant 0 : i32
      %dma_wait3A_29 = tpu.memref_slice %arg3[%add3A, %dma_wait3A] : memref<32x10240xi32, #tpu.memory_space<hbm>> -> memref<1x10240xi32, #tpu.memory_space<hbm>>
      %dma_wait3A_30 = tpu.memref_squeeze %dma_wait3A_29 : memref<1x10240xi32, #tpu.memory_space<hbm>> -> memref<10240xi32, #tpu.memory_space<hbm>>
      %dma_wait3A_31 = arith.constant 0 : i32
      %dma_wait3A_32 = tpu.memref_slice %arg3[%add3A, %dma_wait3A_31] : memref<32x10240xi32, #tpu.memory_space<hbm>> -> memref<1x10240xi32, #tpu.memory_space<hbm>>
      %dma_wait3A_33 = tpu.memref_squeeze %dma_wait3A_32 : memref<1x10240xi32, #tpu.memory_space<hbm>> -> memref<10240xi32, #tpu.memory_space<hbm>>
      tpu.wait_dma2 semaphore(%run_scoped3A : memref<!tpu.dma_semaphore, #tpu.memory_space<semaphore_mem>>) src(%dma_wait3A_33 : memref<10240xi32, #tpu.memory_space<hbm>>) dst(%arg7 : memref<10240xi32, #tpu.memory_space<vmem>>)
      tpu.yield
    }) : () -> ()
    %broadcast_in_dim3A = arith.constant 0.000000e+00 : f32
    %broadcast_in_dim3A_1 = vector.broadcast %broadcast_in_dim3A : f32 to vector<16xf32>
    %scan3A = arith.constant 0 : i32
    %scan3A_2 = arith.constant 128 : i32
    %scan3A_3 = arith.addi %scan3A, %scan3A_2 : i32
    %scan3A_4 = arith.constant 1 : i32
    scf.for %scan3A_24 = %scan3A to %scan3A_3 step %scan3A_4  : i32 {
      %mul3A_25 = arith.constant 1 : i32
      %mul3A_26 = arith.muli %scan3A_24, %mul3A_25 : i32
      %add3A_27 = arith.constant 0 : i32
      %add3A_28 = arith.addi %add3A_27, %mul3A_26 : i32
      %swap3A = arith.index_cast %add3A_28 : i32 to index
      %swap3A_29 = arith.constant 0 : index
      %swap3A_30 = tpu.vector_load %arg10[%swap3A, %swap3A_29] {strides = array<i32>} : memref<128x128xf32, #tpu.memory_space<vmem>>, vector<16xf32>,
      tpu.vector_store %arg10[%swap3A, %swap3A_29], %broadcast_in_dim3A_1 {strides = array<i32>} : memref<128x128xf32, #tpu.memory_space<vmem>>, vector<16xf32>,
      %swap3A_31 = arith.index_cast %add3A_28 : i32 to index
      %swap3A_32 = arith.constant 16 : index
      %swap3A_33 = tpu.vector_load %arg10[%swap3A_31, %swap3A_32] {strides = array<i32>} : memref<128x128xf32, #tpu.memory_space<vmem>>, vector<16xf32>,
      tpu.vector_store %arg10[%swap3A_31, %swap3A_32], %broadcast_in_dim3A_1 {strides = array<i32>} : memref<128x128xf32, #tpu.memory_space<vmem>>, vector<16xf32>,
      %swap3A_34 = arith.index_cast %add3A_28 : i32 to index
      %swap3A_35 = arith.constant 32 : index
      %swap3A_36 = tpu.vector_load %arg10[%swap3A_34, %swap3A_35] {strides = array<i32>} : memref<128x128xf32, #tpu.memory_space<vmem>>, vector<16xf32>,
      tpu.vector_store %arg10[%swap3A_34, %swap3A_35], %broadcast_in_dim3A_1 {strides = array<i32>} : memref<128x128xf32, #tpu.memory_space<vmem>>, vector<16xf32>,
      %swap3A_37 = arith.index_cast %add3A_28 : i32 to index
      %swap3A_38 = arith.constant 48 : index
      %swap3A_39 = tpu.vector_load %arg10[%swap3A_37, %swap3A_38] {strides = array<i32>} : memref<128x128xf32, #tpu.memory_space<vmem>>, vector<16xf32>,
      tpu.vector_store %arg10[%swap3A_37, %swap3A_38], %broadcast_in_dim3A_1 {strides = array<i32>} : memref<128x128xf32, #tpu.memory_space<vmem>>, vector<16xf32>,
      %swap3A_40 = arith.index_cast %add3A_28 : i32 to index
      %swap3A_41 = arith.constant 64 : index
      %swap3A_42 = tpu.vector_load %arg10[%swap3A_40, %swap3A_41] {strides = array<i32>} : memref<128x128xf32, #tpu.memory_space<vmem>>, vector<16xf32>,
      tpu.vector_store %arg10[%swap3A_40, %swap3A_41], %broadcast_in_dim3A_1 {strides = array<i32>} : memref<128x128xf32, #tpu.memory_space<vmem>>, vector<16xf32>,
      %swap3A_43 = arith.index_cast %add3A_28 : i32 to index
      %swap3A_44 = arith.constant 80 : index
      %swap3A_45 = tpu.vector_load %arg10[%swap3A_43, %swap3A_44] {strides = array<i32>} : memref<128x128xf32, #tpu.memory_space<vmem>>, vector<16xf32>,
      tpu.vector_store %arg10[%swap3A_43, %swap3A_44], %broadcast_in_dim3A_1 {strides = array<i32>} : memref<128x128xf32, #tpu.memory_space<vmem>>, vector<16xf32>,
      %swap3A_46 = arith.index_cast %add3A_28 : i32 to index
      %swap3A_47 = arith.constant 96 : index
      %swap3A_48 = tpu.vector_load %arg10[%swap3A_46, %swap3A_47] {strides = array<i32>} : memref<128x128xf32, #tpu.memory_space<vmem>>, vector<16xf32>,
      tpu.vector_store %arg10[%swap3A_46, %swap3A_47], %broadcast_in_dim3A_1 {strides = array<i32>} : memref<128x128xf32, #tpu.memory_space<vmem>>, vector<16xf32>,
      %swap3A_49 = arith.index_cast %add3A_28 : i32 to index
      %swap3A_50 = arith.constant 112 : index
      %swap3A_51 = tpu.vector_load %arg10[%swap3A_49, %swap3A_50] {strides = array<i32>} : memref<128x128xf32, #tpu.memory_space<vmem>>, vector<16xf32>,
      tpu.vector_store %arg10[%swap3A_49, %swap3A_50], %broadcast_in_dim3A_1 {strides = array<i32>} : memref<128x128xf32, #tpu.memory_space<vmem>>, vector<16xf32>,
    }
    %scan3A_5 = arith.constant 128 : i32
    %mul3A_6 = arith.constant 640 : i32
    %mul3A_7 = arith.muli %arg1, %mul3A_6 : i32
    %add3A_8 = arith.constant 0 : i32
    %add3A_9 = arith.addi %mul3A_7, %add3A_8 : i32
    "tpu.region"() ({
      %run_scoped3A = tpu.sem_alloc : memref<!tpu.dma_semaphore, #tpu.memory_space<semaphore_mem>>
      %dma_start3A = arith.constant 0 : i32
      %dma_start3A_24 = tpu.memref_slice %arg11[%add3A_9, %dma_start3A] : memref<10240x128xf32, #tpu.memory_space<vmem_shared>> -> memref<128x128xf32, #tpu.memory_space<vmem_shared>>
      %dma_start3A_25 = arith.constant 0 : i32
      %dma_start3A_26 = tpu.memref_slice %arg11[%add3A_9, %dma_start3A_25] : memref<10240x128xf32, #tpu.memory_space<vmem_shared>> -> memref<128x128xf32, #tpu.memory_space<vmem_shared>>
      tpu.enqueue_dma source(%arg10 : memref<128x128xf32, #tpu.memory_space<vmem>>) target(%dma_start3A_26 : memref<128x128xf32, #tpu.memory_space<vmem_shared>>) target_semaphore(%run_scoped3A : memref<!tpu.dma_semaphore, #tpu.memory_space<semaphore_mem>>)
      %dma_wait3A = arith.constant 0 : i32
      %dma_wait3A_27 = tpu.memref_slice %arg11[%add3A_9, %dma_wait3A] : memref<10240x128xf32, #tpu.memory_space<vmem_shared>> -> memref<128x128xf32, #tpu.memory_space<vmem_shared>>
      %dma_wait3A_28 = arith.constant 0 : i32
      %dma_wait3A_29 = tpu.memref_slice %arg11[%add3A_9, %dma_wait3A_28] : memref<10240x128xf32, #tpu.memory_space<vmem_shared>> -> memref<128x128xf32, #tpu.memory_space<vmem_shared>>
      tpu.wait_dma2 semaphore(%run_scoped3A : memref<!tpu.dma_semaphore, #tpu.memory_space<semaphore_mem>>) src(%arg10 : memref<128x128xf32, #tpu.memory_space<vmem>>) dst(%dma_wait3A_29 : memref<128x128xf32, #tpu.memory_space<vmem_shared>>)
      tpu.yield
    }) : () -> ()
    %add3A_10 = arith.constant 128 : i32
    %add3A_11 = arith.addi %mul3A_7, %add3A_10 : i32
    "tpu.region"() ({
      %run_scoped3A = tpu.sem_alloc : memref<!tpu.dma_semaphore, #tpu.memory_space<semaphore_mem>>
      %dma_start3A = arith.constant 0 : i32
      %dma_start3A_24 = tpu.memref_slice %arg11[%add3A_11, %dma_start3A] : memref<10240x128xf32, #tpu.memory_space<vmem_shared>> -> memref<128x128xf32, #tpu.memory_space<vmem_shared>>
      %dma_start3A_25 = arith.constant 0 : i32
      %dma_start3A_26 = tpu.memref_slice %arg11[%add3A_11, %dma_start3A_25] : memref<10240x128xf32, #tpu.memory_space<vmem_shared>> -> memref<128x128xf32, #tpu.memory_space<vmem_shared>>
      tpu.enqueue_dma source(%arg10 : memref<128x128xf32, #tpu.memory_space<vmem>>) target(%dma_start3A_26 : memref<128x128xf32, #tpu.memory_space<vmem_shared>>) target_semaphore(%run_scoped3A : memref<!tpu.dma_semaphore, #tpu.memory_space<semaphore_mem>>)
      %dma_wait3A = arith.constant 0 : i32
      %dma_wait3A_27 = tpu.memref_slice %arg11[%add3A_11, %dma_wait3A] : memref<10240x128xf32, #tpu.memory_space<vmem_shared>> -> memref<128x128xf32, #tpu.memory_space<vmem_shared>>
      %dma_wait3A_28 = arith.constant 0 : i32
      %dma_wait3A_29 = tpu.memref_slice %arg11[%add3A_11, %dma_wait3A_28] : memref<10240x128xf32, #tpu.memory_space<vmem_shared>> -> memref<128x128xf32, #tpu.memory_space<vmem_shared>>
      tpu.wait_dma2 semaphore(%run_scoped3A : memref<!tpu.dma_semaphore, #tpu.memory_space<semaphore_mem>>) src(%arg10 : memref<128x128xf32, #tpu.memory_space<vmem>>) dst(%dma_wait3A_29 : memref<128x128xf32, #tpu.memory_space<vmem_shared>>)
      tpu.yield
    }) : () -> ()
    %add3A_12 = arith.constant 256 : i32
    %add3A_13 = arith.addi %mul3A_7, %add3A_12 : i32
    "tpu.region"() ({
      %run_scoped3A = tpu.sem_alloc : memref<!tpu.dma_semaphore, #tpu.memory_space<semaphore_mem>>
      %dma_start3A = arith.constant 0 : i32
      %dma_start3A_24 = tpu.memref_slice %arg11[%add3A_13, %dma_start3A] : memref<10240x128xf32, #tpu.memory_space<vmem_shared>> -> memref<128x128xf32, #tpu.memory_space<vmem_shared>>
      %dma_start3A_25 = arith.constant 0 : i32
      %dma_start3A_26 = tpu.memref_slice %arg11[%add3A_13, %dma_start3A_25] : memref<10240x128xf32, #tpu.memory_space<vmem_shared>> -> memref<128x128xf32, #tpu.memory_space<vmem_shared>>
      tpu.enqueue_dma source(%arg10 : memref<128x128xf32, #tpu.memory_space<vmem>>) target(%dma_start3A_26 : memref<128x128xf32, #tpu.memory_space<vmem_shared>>) target_semaphore(%run_scoped3A : memref<!tpu.dma_semaphore, #tpu.memory_space<semaphore_mem>>)
      %dma_wait3A = arith.constant 0 : i32
      %dma_wait3A_27 = tpu.memref_slice %arg11[%add3A_13, %dma_wait3A] : memref<10240x128xf32, #tpu.memory_space<vmem_shared>> -> memref<128x128xf32, #tpu.memory_space<vmem_shared>>
      %dma_wait3A_28 = arith.constant 0 : i32
      %dma_wait3A_29 = tpu.memref_slice %arg11[%add3A_13, %dma_wait3A_28] : memref<10240x128xf32, #tpu.memory_space<vmem_shared>> -> memref<128x128xf32, #tpu.memory_space<vmem_shared>>
      tpu.wait_dma2 semaphore(%run_scoped3A : memref<!tpu.dma_semaphore, #tpu.memory_space<semaphore_mem>>) src(%arg10 : memref<128x128xf32, #tpu.memory_space<vmem>>) dst(%dma_wait3A_29 : memref<128x128xf32, #tpu.memory_space<vmem_shared>>)
      tpu.yield
    }) : () -> ()
    %add3A_14 = arith.constant 384 : i32
    %add3A_15 = arith.addi %mul3A_7, %add3A_14 : i32
    "tpu.region"() ({
      %run_scoped3A = tpu.sem_alloc : memref<!tpu.dma_semaphore, #tpu.memory_space<semaphore_mem>>
      %dma_start3A = arith.constant 0 : i32
      %dma_start3A_24 = tpu.memref_slice %arg11[%add3A_15, %dma_start3A] : memref<10240x128xf32, #tpu.memory_space<vmem_shared>> -> memref<128x128xf32, #tpu.memory_space<vmem_shared>>
      %dma_start3A_25 = arith.constant 0 : i32
      %dma_start3A_26 = tpu.memref_slice %arg11[%add3A_15, %dma_start3A_25] : memref<10240x128xf32, #tpu.memory_space<vmem_shared>> -> memref<128x128xf32, #tpu.memory_space<vmem_shared>>
      tpu.enqueue_dma source(%arg10 : memref<128x128xf32, #tpu.memory_space<vmem>>) target(%dma_start3A_26 : memref<128x128xf32, #tpu.memory_space<vmem_shared>>) target_semaphore(%run_scoped3A : memref<!tpu.dma_semaphore, #tpu.memory_space<semaphore_mem>>)
      %dma_wait3A = arith.constant 0 : i32
      %dma_wait3A_27 = tpu.memref_slice %arg11[%add3A_15, %dma_wait3A] : memref<10240x128xf32, #tpu.memory_space<vmem_shared>> -> memref<128x128xf32, #tpu.memory_space<vmem_shared>>
      %dma_wait3A_28 = arith.constant 0 : i32
      %dma_wait3A_29 = tpu.memref_slice %arg11[%add3A_15, %dma_wait3A_28] : memref<10240x128xf32, #tpu.memory_space<vmem_shared>> -> memref<128x128xf32, #tpu.memory_space<vmem_shared>>
      tpu.wait_dma2 semaphore(%run_scoped3A : memref<!tpu.dma_semaphore, #tpu.memory_space<semaphore_mem>>) src(%arg10 : memref<128x128xf32, #tpu.memory_space<vmem>>) dst(%dma_wait3A_29 : memref<128x128xf32, #tpu.memory_space<vmem_shared>>)
      tpu.yield
    }) : () -> ()
    %add3A_16 = arith.constant 512 : i32
    %add3A_17 = arith.addi %mul3A_7, %add3A_16 : i32
    "tpu.region"() ({
      %run_scoped3A = tpu.sem_alloc : memref<!tpu.dma_semaphore, #tpu.memory_space<semaphore_mem>>
      %dma_start3A = arith.constant 0 : i32
      %dma_start3A_24 = tpu.memref_slice %arg11[%add3A_17, %dma_start3A] : memref<10240x128xf32, #tpu.memory_space<vmem_shared>> -> memref<128x128xf32, #tpu.memory_space<vmem_shared>>
      %dma_start3A_25 = arith.constant 0 : i32
      %dma_start3A_26 = tpu.memref_slice %arg11[%add3A_17, %dma_start3A_25] : memref<10240x128xf32, #tpu.memory_space<vmem_shared>> -> memref<128x128xf32, #tpu.memory_space<vmem_shared>>
      tpu.enqueue_dma source(%arg10 : memref<128x128xf32, #tpu.memory_space<vmem>>) target(%dma_start3A_26 : memref<128x128xf32, #tpu.memory_space<vmem_shared>>) target_semaphore(%run_scoped3A : memref<!tpu.dma_semaphore, #tpu.memory_space<semaphore_mem>>)
      %dma_wait3A = arith.constant 0 : i32
      %dma_wait3A_27 = tpu.memref_slice %arg11[%add3A_17, %dma_wait3A] : memref<10240x128xf32, #tpu.memory_space<vmem_shared>> -> memref<128x128xf32, #tpu.memory_space<vmem_shared>>
      %dma_wait3A_28 = arith.constant 0 : i32
      %dma_wait3A_29 = tpu.memref_slice %arg11[%add3A_17, %dma_wait3A_28] : memref<10240x128xf32, #tpu.memory_space<vmem_shared>> -> memref<128x128xf32, #tpu.memory_space<vmem_shared>>
      tpu.wait_dma2 semaphore(%run_scoped3A : memref<!tpu.dma_semaphore, #tpu.memory_space<semaphore_mem>>) src(%arg10 : memref<128x128xf32, #tpu.memory_space<vmem>>) dst(%dma_wait3A_29 : memref<128x128xf32, #tpu.memory_space<vmem_shared>>)
      tpu.yield
    }) : () -> ()
    %barrier3A = arith.constant 0 : index
    tpu.barrier barrier_id(%barrier3A)
    %scan3A_18 = arith.constant 0 : i32
    %scan3A_19 = arith.constant 10 : i32
    %scan3A_20 = arith.addi %scan3A_18, %scan3A_19 : i32
    %scan3A_21 = arith.constant 1 : i32
    scf.for %scan3A_24 = %scan3A_18 to %scan3A_20 step %scan3A_21  : i32 {
      %mul3A_25 = arith.constant 1 : i32
      %mul3A_26 = arith.muli %scan3A_24, %mul3A_25 : i32
      %add3A_27 = arith.constant 0 : i32
      %add3A_28 = arith.addi %add3A_27, %mul3A_26 : i32
      "tpu.region"() ({
        %run_scoped3A = tpu.sem_alloc : memref<!tpu.dma_semaphore, #tpu.memory_space<semaphore_mem>>
        %dma_start3A = arith.constant 0 : i32
        %dma_start3A_34 = arith.constant 0 : i32
        %dma_start3A_35 = tpu.memref_slice %arg4[%add3A, %add3A_28, %dma_start3A, %dma_start3A_34] : memref<32x10x8x128xi32, #tpu.memory_space<hbm>> -> memref<1x1x8x128xi32, #tpu.memory_space<hbm>>
        %dma_start3A_36 = tpu.memref_squeeze %dma_start3A_35 : memref<1x1x8x128xi32, #tpu.memory_space<hbm>> -> memref<8x128xi32, #tpu.memory_space<hbm>>
        %dma_start3A_37 = arith.constant 0 : i32
        %dma_start3A_38 = arith.constant 0 : i32
        %dma_start3A_39 = tpu.memref_slice %arg4[%add3A, %add3A_28, %dma_start3A_37, %dma_start3A_38] : memref<32x10x8x128xi32, #tpu.memory_space<hbm>> -> memref<1x1x8x128xi32, #tpu.memory_space<hbm>>
        %dma_start3A_40 = tpu.memref_squeeze %dma_start3A_39 : memref<1x1x8x128xi32, #tpu.memory_space<hbm>> -> memref<8x128xi32, #tpu.memory_space<hbm>>
        tpu.enqueue_dma source(%dma_start3A_40 : memref<8x128xi32, #tpu.memory_space<hbm>>) target(%arg8 : memref<8x128xi32, #tpu.memory_space<vmem>>) target_semaphore(%run_scoped3A : memref<!tpu.dma_semaphore, #tpu.memory_space<semaphore_mem>>)
        %dma_wait3A = arith.constant 0 : i32
        %dma_wait3A_41 = arith.constant 0 : i32
        %dma_wait3A_42 = tpu.memref_slice %arg4[%add3A, %add3A_28, %dma_wait3A, %dma_wait3A_41] : memref<32x10x8x128xi32, #tpu.memory_space<hbm>> -> memref<1x1x8x128xi32, #tpu.memory_space<hbm>>
        %dma_wait3A_43 = tpu.memref_squeeze %dma_wait3A_42 : memref<1x1x8x128xi32, #tpu.memory_space<hbm>> -> memref<8x128xi32, #tpu.memory_space<hbm>>
        %dma_wait3A_44 = arith.constant 0 : i32
        %dma_wait3A_45 = arith.constant 0 : i32
        %dma_wait3A_46 = tpu.memref_slice %arg4[%add3A, %add3A_28, %dma_wait3A_44, %dma_wait3A_45] : memref<32x10x8x128xi32, #tpu.memory_space<hbm>> -> memref<1x1x8x128xi32, #tpu.memory_space<hbm>>
        %dma_wait3A_47 = tpu.memref_squeeze %dma_wait3A_46 : memref<1x1x8x128xi32, #tpu.memory_space<hbm>> -> memref<8x128xi32, #tpu.memory_space<hbm>>
        tpu.wait_dma2 semaphore(%run_scoped3A : memref<!tpu.dma_semaphore, #tpu.memory_space<semaphore_mem>>) src(%dma_wait3A_47 : memref<8x128xi32, #tpu.memory_space<hbm>>) dst(%arg8 : memref<8x128xi32, #tpu.memory_space<vmem>>)
        tpu.yield
      }) : () -> ()
      "tpu.region"() ({
        %run_scoped3A = tpu.sem_alloc : memref<!tpu.dma_semaphore, #tpu.memory_space<semaphore_mem>>
        %dma_start3A = arith.constant 0 : i32
        %dma_start3A_34 = arith.constant 0 : i32
        %dma_start3A_35 = tpu.memref_slice %arg5[%add3A, %add3A_28, %dma_start3A, %dma_start3A_34] : memref<32x10x8x128xf32, #tpu.memory_space<hbm>> -> memref<1x1x8x128xf32, #tpu.memory_space<hbm>>
        %dma_start3A_36 = tpu.memref_squeeze %dma_start3A_35 : memref<1x1x8x128xf32, #tpu.memory_space<hbm>> -> memref<8x128xf32, #tpu.memory_space<hbm>>
        %dma_start3A_37 = arith.constant 0 : i32
        %dma_start3A_38 = arith.constant 0 : i32
        %dma_start3A_39 = tpu.memref_slice %arg5[%add3A, %add3A_28, %dma_start3A_37, %dma_start3A_38] : memref<32x10x8x128xf32, #tpu.memory_space<hbm>> -> memref<1x1x8x128xf32, #tpu.memory_space<hbm>>
        %dma_start3A_40 = tpu.memref_squeeze %dma_start3A_39 : memref<1x1x8x128xf32, #tpu.memory_space<hbm>> -> memref<8x128xf32, #tpu.memory_space<hbm>>
        tpu.enqueue_dma source(%dma_start3A_40 : memref<8x128xf32, #tpu.memory_space<hbm>>) target(%arg9 : memref<8x128xf32, #tpu.memory_space<vmem>>) target_semaphore(%run_scoped3A : memref<!tpu.dma_semaphore, #tpu.memory_space<semaphore_mem>>)
        %dma_wait3A = arith.constant 0 : i32
        %dma_wait3A_41 = arith.constant 0 : i32
        %dma_wait3A_42 = tpu.memref_slice %arg5[%add3A, %add3A_28, %dma_wait3A, %dma_wait3A_41] : memref<32x10x8x128xf32, #tpu.memory_space<hbm>> -> memref<1x1x8x128xf32, #tpu.memory_space<hbm>>
        %dma_wait3A_43 = tpu.memref_squeeze %dma_wait3A_42 : memref<1x1x8x128xf32, #tpu.memory_space<hbm>> -> memref<8x128xf32, #tpu.memory_space<hbm>>
        %dma_wait3A_44 = arith.constant 0 : i32
        %dma_wait3A_45 = arith.constant 0 : i32
        %dma_wait3A_46 = tpu.memref_slice %arg5[%add3A, %add3A_28, %dma_wait3A_44, %dma_wait3A_45] : memref<32x10x8x128xf32, #tpu.memory_space<hbm>> -> memref<1x1x8x128xf32, #tpu.memory_space<hbm>>
        %dma_wait3A_47 = tpu.memref_squeeze %dma_wait3A_46 : memref<1x1x8x128xf32, #tpu.memory_space<hbm>> -> memref<8x128xf32, #tpu.memory_space<hbm>>
        tpu.wait_dma2 semaphore(%run_scoped3A : memref<!tpu.dma_semaphore, #tpu.memory_space<semaphore_mem>>) src(%dma_wait3A_47 : memref<8x128xf32, #tpu.memory_space<hbm>>) dst(%arg9 : memref<8x128xf32, #tpu.memory_space<vmem>>)
        tpu.yield
      }) : () -> ()
      %scan3A_29 = arith.constant 0 : i32
      %scan3A_30 = arith.constant 8 : i32
      %scan3A_31 = arith.addi %scan3A_29, %scan3A_30 : i32
      %scan3A_32 = arith.constant 1 : i32
      scf.for %scan3A_34 = %scan3A_29 to %scan3A_31 step %scan3A_32  : i32 {
        %mul3A_35 = arith.constant 1 : i32
        %mul3A_36 = arith.muli %scan3A_34, %mul3A_35 : i32
        %add3A_37 = arith.constant 0 : i32
        %add3A_38 = arith.addi %add3A_37, %mul3A_36 : i32
        %mul3A_39 = arith.constant 8 : i32
        %mul3A_40 = arith.muli %add3A_28, %mul3A_39 : i32
        %add3A_41 = arith.addi %mul3A_40, %add3A_38 : i32
        %mul3A_42 = arith.constant 128 : i32
        %mul3A_43 = arith.muli %add3A_41, %mul3A_42 : i32
        %dma_start3A = tpu.memref_slice %arg7[%mul3A_43] : memref<10240xi32, #tpu.memory_space<vmem>> -> memref<128xi32, #tpu.memory_space<vmem>>
        %dma_start3A_44 = arith.constant 0 : i32
        %dma_start3A_45 = arith.constant 0 : i32
        %dma_start3A_46 = tpu.memref_slice %arg2[%dma_start3A_44, %dma_start3A_45] : memref<10240x128xf32, #tpu.memory_space<hbm>> -> memref<10240x128xf32, #tpu.memory_space<hbm>>
        tpu.enqueue_indirect_dma source(%dma_start3A_46 : memref<10240x128xf32, #tpu.memory_space<hbm>>) target(%arg10 : memref<128x128xf32, #tpu.memory_space<vmem>>) offsets(%dma_start3A : memref<128xi32, #tpu.memory_space<vmem>>) semaphore(%arg12 : memref<!tpu.dma_semaphore, #tpu.memory_space<semaphore_mem>>)
        %dma_wait3A = tpu.memref_slice %arg7[%mul3A_43] : memref<10240xi32, #tpu.memory_space<vmem>> -> memref<128xi32, #tpu.memory_space<vmem>>
        %dma_wait3A_47 = arith.constant 0 : i32
        %dma_wait3A_48 = arith.constant 0 : i32
        %dma_wait3A_49 = tpu.memref_slice %arg2[%dma_wait3A_47, %dma_wait3A_48] : memref<10240x128xf32, #tpu.memory_space<hbm>> -> memref<10240x128xf32, #tpu.memory_space<hbm>>
        tpu.wait_indirect_dma semaphore(%arg12 : memref<!tpu.dma_semaphore, #tpu.memory_space<semaphore_mem>>) src(%dma_wait3A_49 : memref<10240x128xf32, #tpu.memory_space<hbm>>) dst(%arg10 : memref<128x128xf32, #tpu.memory_space<vmem>>)
        %scan3A_50 = arith.constant 0 : i32
        %scan3A_51 = arith.constant 128 : i32
        %scan3A_52 = arith.addi %scan3A_50, %scan3A_51 : i32
        %scan3A_53 = arith.constant 1 : i32
        scf.for %scan3A_55 = %scan3A_50 to %scan3A_52 step %scan3A_53  : i32 {
          %mul3A_56 = arith.constant 1 : i32
          %mul3A_57 = arith.muli %scan3A_55, %mul3A_56 : i32
          %add3A_58 = arith.constant 0 : i32
          %add3A_59 = arith.addi %add3A_58, %mul3A_57 : i32
          %broadcast_in_dim3A_60 = vector.broadcast %add3A_38 : i32 to vector<16xi32>
          %broadcast_in_dim3A_61 = vector.broadcast %add3A_59 : i32 to vector<16xi32>
          %gather3A = tpu.vector_load_idx %arg9[%broadcast_in_dim3A_60, %broadcast_in_dim3A_61] : memref<8x128xf32, #tpu.memory_space<vmem>>[vector<16xi32>, vector<16xi32>], vector<16xf32>,
          %get3A = arith.index_cast %add3A_59 : i32 to index
          %get3A_62 = arith.constant 0 : index
          %get3A_63 = tpu.vector_load %arg10[%get3A, %get3A_62] {strides = array<i32>} : memref<128x128xf32, #tpu.memory_space<vmem>>, vector<16xf32>,
          %mul3A_64 = arith.mulf %get3A_63, %gather3A : vector<16xf32>
          %swap3A = arith.index_cast %add3A_59 : i32 to index
          %swap3A_65 = arith.constant 0 : index
          %swap3A_66 = tpu.vector_load %arg10[%swap3A, %swap3A_65] {strides = array<i32>} : memref<128x128xf32, #tpu.memory_space<vmem>>, vector<16xf32>,
          tpu.vector_store %arg10[%swap3A, %swap3A_65], %mul3A_64 {strides = array<i32>} : memref<128x128xf32, #tpu.memory_space<vmem>>, vector<16xf32>,
          %get3A_67 = arith.index_cast %add3A_59 : i32 to index
          %get3A_68 = arith.constant 16 : index
          %get3A_69 = tpu.vector_load %arg10[%get3A_67, %get3A_68] {strides = array<i32>} : memref<128x128xf32, #tpu.memory_space<vmem>>, vector<16xf32>,
          %mul3A_70 = arith.mulf %get3A_69, %gather3A : vector<16xf32>
          %swap3A_71 = arith.index_cast %add3A_59 : i32 to index
          %swap3A_72 = arith.constant 16 : index
          %swap3A_73 = tpu.vector_load %arg10[%swap3A_71, %swap3A_72] {strides = array<i32>} : memref<128x128xf32, #tpu.memory_space<vmem>>, vector<16xf32>,
          tpu.vector_store %arg10[%swap3A_71, %swap3A_72], %mul3A_70 {strides = array<i32>} : memref<128x128xf32, #tpu.memory_space<vmem>>, vector<16xf32>,
          %get3A_74 = arith.index_cast %add3A_59 : i32 to index
          %get3A_75 = arith.constant 32 : index
          %get3A_76 = tpu.vector_load %arg10[%get3A_74, %get3A_75] {strides = array<i32>} : memref<128x128xf32, #tpu.memory_space<vmem>>, vector<16xf32>,
          %mul3A_77 = arith.mulf %get3A_76, %gather3A : vector<16xf32>
          %swap3A_78 = arith.index_cast %add3A_59 : i32 to index
          %swap3A_79 = arith.constant 32 : index
          %swap3A_80 = tpu.vector_load %arg10[%swap3A_78, %swap3A_79] {strides = array<i32>} : memref<128x128xf32, #tpu.memory_space<vmem>>, vector<16xf32>,
          tpu.vector_store %arg10[%swap3A_78, %swap3A_79], %mul3A_77 {strides = array<i32>} : memref<128x128xf32, #tpu.memory_space<vmem>>, vector<16xf32>,
          %get3A_81 = arith.index_cast %add3A_59 : i32 to index
          %get3A_82 = arith.constant 48 : index
          %get3A_83 = tpu.vector_load %arg10[%get3A_81, %get3A_82] {strides = array<i32>} : memref<128x128xf32, #tpu.memory_space<vmem>>, vector<16xf32>,
          %mul3A_84 = arith.mulf %get3A_83, %gather3A : vector<16xf32>
          %swap3A_85 = arith.index_cast %add3A_59 : i32 to index
          %swap3A_86 = arith.constant 48 : index
          %swap3A_87 = tpu.vector_load %arg10[%swap3A_85, %swap3A_86] {strides = array<i32>} : memref<128x128xf32, #tpu.memory_space<vmem>>, vector<16xf32>,
          tpu.vector_store %arg10[%swap3A_85, %swap3A_86], %mul3A_84 {strides = array<i32>} : memref<128x128xf32, #tpu.memory_space<vmem>>, vector<16xf32>,
          %get3A_88 = arith.index_cast %add3A_59 : i32 to index
          %get3A_89 = arith.constant 64 : index
          %get3A_90 = tpu.vector_load %arg10[%get3A_88, %get3A_89] {strides = array<i32>} : memref<128x128xf32, #tpu.memory_space<vmem>>, vector<16xf32>,
          %mul3A_91 = arith.mulf %get3A_90, %gather3A : vector<16xf32>
          %swap3A_92 = arith.index_cast %add3A_59 : i32 to index
          %swap3A_93 = arith.constant 64 : index
          %swap3A_94 = tpu.vector_load %arg10[%swap3A_92, %swap3A_93] {strides = array<i32>} : memref<128x128xf32, #tpu.memory_space<vmem>>, vector<16xf32>,
          tpu.vector_store %arg10[%swap3A_92, %swap3A_93], %mul3A_91 {strides = array<i32>} : memref<128x128xf32, #tpu.memory_space<vmem>>, vector<16xf32>,
          %get3A_95 = arith.index_cast %add3A_59 : i32 to index
          %get3A_96 = arith.constant 80 : index
          %get3A_97 = tpu.vector_load %arg10[%get3A_95, %get3A_96] {strides = array<i32>} : memref<128x128xf32, #tpu.memory_space<vmem>>, vector<16xf32>,
          %mul3A_98 = arith.mulf %get3A_97, %gather3A : vector<16xf32>
          %swap3A_99 = arith.index_cast %add3A_59 : i32 to index
          %swap3A_100 = arith.constant 80 : index
          %swap3A_101 = tpu.vector_load %arg10[%swap3A_99, %swap3A_100] {strides = array<i32>} : memref<128x128xf32, #tpu.memory_space<vmem>>, vector<16xf32>,
          tpu.vector_store %arg10[%swap3A_99, %swap3A_100], %mul3A_98 {strides = array<i32>} : memref<128x128xf32, #tpu.memory_space<vmem>>, vector<16xf32>,
          %get3A_102 = arith.index_cast %add3A_59 : i32 to index
          %get3A_103 = arith.constant 96 : index
          %get3A_104 = tpu.vector_load %arg10[%get3A_102, %get3A_103] {strides = array<i32>} : memref<128x128xf32, #tpu.memory_space<vmem>>, vector<16xf32>,
          %mul3A_105 = arith.mulf %get3A_104, %gather3A : vector<16xf32>
          %swap3A_106 = arith.index_cast %add3A_59 : i32 to index
          %swap3A_107 = arith.constant 96 : index
          %swap3A_108 = tpu.vector_load %arg10[%swap3A_106, %swap3A_107] {strides = array<i32>} : memref<128x128xf32, #tpu.memory_space<vmem>>, vector<16xf32>,
          tpu.vector_store %arg10[%swap3A_106, %swap3A_107], %mul3A_105 {strides = array<i32>} : memref<128x128xf32, #tpu.memory_space<vmem>>, vector<16xf32>,
          %get3A_109 = arith.index_cast %add3A_59 : i32 to index
          %get3A_110 = arith.constant 112 : index
          %get3A_111 = tpu.vector_load %arg10[%get3A_109, %get3A_110] {strides = array<i32>} : memref<128x128xf32, #tpu.memory_space<vmem>>, vector<16xf32>,
          %mul3A_112 = arith.mulf %get3A_111, %gather3A : vector<16xf32>
          %swap3A_113 = arith.index_cast %add3A_59 : i32 to index
          %swap3A_114 = arith.constant 112 : index
          %swap3A_115 = tpu.vector_load %arg10[%swap3A_113, %swap3A_114] {strides = array<i32>} : memref<128x128xf32, #tpu.memory_space<vmem>>, vector<16xf32>,
          tpu.vector_store %arg10[%swap3A_113, %swap3A_114], %mul3A_112 {strides = array<i32>} : memref<128x128xf32, #tpu.memory_space<vmem>>, vector<16xf32>,
        }
        %scan3A_54 = arith.constant 128 : i32
        "tpu.region"() ({
          %run_scoped3A = tpu.sem_alloc : memref<!tpu.dma_semaphore, #tpu.memory_space<semaphore_mem>>
          %dma_start3A_55 = arith.constant 0 : i32
          %dma_start3A_56 = tpu.memref_slice %arg8[%add3A_38, %dma_start3A_55] : memref<8x128xi32, #tpu.memory_space<vmem>> -> memref<1x128xi32, #tpu.memory_space<vmem>>
          %dma_start3A_57 = tpu.memref_squeeze %dma_start3A_56 : memref<1x128xi32, #tpu.memory_space<vmem>> -> memref<128xi32, #tpu.memory_space<vmem>>
          %dma_start3A_58 = arith.constant 0 : i32
          %dma_start3A_59 = arith.constant 0 : i32
          %dma_start3A_60 = tpu.memref_slice %arg11[%dma_start3A_58, %dma_start3A_59] : memref<10240x128xf32, #tpu.memory_space<vmem_shared>> -> memref<10240x128xf32, #tpu.memory_space<vmem_shared>>
          tpu.enqueue_indirect_dma source(%arg10 : memref<128x128xf32, #tpu.memory_space<vmem>>) target(%dma_start3A_60 : memref<10240x128xf32, #tpu.memory_space<vmem_shared>>) offsets(%dma_start3A_57 : memref<128xi32, #tpu.memory_space<vmem>>) semaphore(%run_scoped3A : memref<!tpu.dma_semaphore, #tpu.memory_space<semaphore_mem>>) {add = true}
          %dma_wait3A_61 = arith.constant 0 : i32
          %dma_wait3A_62 = tpu.memref_slice %arg8[%add3A_38, %dma_wait3A_61] : memref<8x128xi32, #tpu.memory_space<vmem>> -> memref<1x128xi32, #tpu.memory_space<vmem>>
          %dma_wait3A_63 = tpu.memref_squeeze %dma_wait3A_62 : memref<1x128xi32, #tpu.memory_space<vmem>> -> memref<128xi32, #tpu.memory_space<vmem>>
          %dma_wait3A_64 = arith.constant 0 : i32
          %dma_wait3A_65 = arith.constant 0 : i32
          %dma_wait3A_66 = tpu.memref_slice %arg11[%dma_wait3A_64, %dma_wait3A_65] : memref<10240x128xf32, #tpu.memory_space<vmem_shared>> -> memref<10240x128xf32, #tpu.memory_space<vmem_shared>>
          tpu.wait_indirect_dma semaphore(%run_scoped3A : memref<!tpu.dma_semaphore, #tpu.memory_space<semaphore_mem>>) src(%arg10 : memref<128x128xf32, #tpu.memory_space<vmem>>) dst(%dma_wait3A_66 : memref<10240x128xf32, #tpu.memory_space<vmem_shared>>)
          tpu.yield
        }) : () -> ()
      }
      %scan3A_33 = arith.constant 8 : i32
    }
    %scan3A_22 = arith.constant 10 : i32
    %barrier3A_23 = arith.constant 0 : index
    tpu.barrier barrier_id(%barrier3A_23)
    "tpu.region"() ({
      %run_scoped3A = tpu.sem_alloc : memref<!tpu.dma_semaphore, #tpu.memory_space<semaphore_mem>>
      %dma_start3A = arith.constant 0 : i32
      %dma_start3A_24 = tpu.memref_slice %arg6[%arg0, %mul3A_7, %dma_start3A] : memref<2x10240x128xf32, #tpu.memory_space<hbm>> -> memref<1x640x128xf32, #tpu.memory_space<hbm>>
      %dma_start3A_25 = tpu.memref_squeeze %dma_start3A_24 : memref<1x640x128xf32, #tpu.memory_space<hbm>> -> memref<640x128xf32, #tpu.memory_space<hbm>>
      %dma_start3A_26 = arith.constant 0 : i32
      %dma_start3A_27 = tpu.memref_slice %arg11[%mul3A_7, %dma_start3A_26] : memref<10240x128xf32, #tpu.memory_space<vmem_shared>> -> memref<640x128xf32, #tpu.memory_space<vmem_shared>>
      tpu.enqueue_dma source(%dma_start3A_27 : memref<640x128xf32, #tpu.memory_space<vmem_shared>>) target(%dma_start3A_25 : memref<640x128xf32, #tpu.memory_space<hbm>>) target_semaphore(%run_scoped3A : memref<!tpu.dma_semaphore, #tpu.memory_space<semaphore_mem>>)
      %dma_wait3A = arith.constant 0 : i32
      %dma_wait3A_28 = tpu.memref_slice %arg6[%arg0, %mul3A_7, %dma_wait3A] : memref<2x10240x128xf32, #tpu.memory_space<hbm>> -> memref<1x640x128xf32, #tpu.memory_space<hbm>>
      %dma_wait3A_29 = tpu.memref_squeeze %dma_wait3A_28 : memref<1x640x128xf32, #tpu.memory_space<hbm>> -> memref<640x128xf32, #tpu.memory_space<hbm>>
      %dma_wait3A_30 = arith.constant 0 : i32
      %dma_wait3A_31 = tpu.memref_slice %arg11[%mul3A_7, %dma_wait3A_30] : memref<10240x128xf32, #tpu.memory_space<vmem_shared>> -> memref<640x128xf32, #tpu.memory_space<vmem_shared>>
      tpu.wait_dma2 semaphore(%run_scoped3A : memref<!tpu.dma_semaphore, #tpu.memory_space<semaphore_mem>>) src(%dma_wait3A_31 : memref<640x128xf32, #tpu.memory_space<vmem_shared>>) dst(%dma_wait3A_29 : memref<640x128xf32, #tpu.memory_space<hbm>>)
      tpu.yield
    }) : () -> ()
    return
  }
}

module attributes {stable_mosaic.version = 14 : i64} {
  func.func @body(%arg0: memref<10240x128xf32, #tpu.memory_space<vmem>>, %arg1: memref<128x128xf32, #tpu.memory_space<vmem>>, %arg2: memref<10240x128xf32, #tpu.memory_space<vmem>>) attributes {dimension_semantics = [], scalar_prefetch = 0 : i64, scratch_operands = 0 : i64, tpu.core_type = #tpu.core_type<tc>} {
    %get3A = arith.constant 0 : index
    %get3A_0 = arith.constant 0 : index
    %get3A_1 = vector.load %arg0[%get3A, %get3A_0] : memref<10240x128xf32, #tpu.memory_space<vmem>>, vector<10240x128xf32>
    %get3A_2 = arith.constant 0 : index
    %get3A_3 = arith.constant 0 : index
    %get3A_4 = vector.load %arg1[%get3A_2, %get3A_3] : memref<128x128xf32, #tpu.memory_space<vmem>>, vector<128x128xf32>
    %dot_general3A = arith.constant dense<0.000000e+00> : vector<10240x128xf32>
    %dot_general3A_5 = tpu.matmul %get3A_1, %get3A_4, %dot_general3A {dimension_numbers = #tpu.dot_dimension_numbers<[1], [0], [0], [1], [0, 0, 1, 1], [], []>, precision = #tpu.contract_precision<fp32>, transpose_lhs_hint = false} : vector<10240x128xf32>, vector<128x128xf32>, vector<10240x128xf32> -> vector<10240x128xf32>
    %swap3A = arith.constant 0 : index
    %swap3A_6 = arith.constant 0 : index
    %swap3A_7 = vector.load %arg2[%swap3A, %swap3A_6] : memref<10240x128xf32, #tpu.memory_space<vmem>>, vector<10240x128xf32>
    tpu.vector_store %arg2[%swap3A, %swap3A_6], %dot_general3A_5 {strides = array<i32>} : memref<10240x128xf32, #tpu.memory_space<vmem>>, vector<10240x128xf32>,
    return
  }
}

module attributes {stable_mosaic.version = 14 : i64} {
  func.func @body(%arg0: memref<2x10240x128xf32, #tpu.memory_space<vmem>>, %arg1: memref<128xf32, #tpu.memory_space<vmem>>, %arg2: memref<128xf32, #tpu.memory_space<vmem>>, %arg3: memref<128x128xf32, #tpu.memory_space<vmem>>, %arg4: memref<10240x128xf32, #tpu.memory_space<vmem>>, %arg5: memref<10240x128xf32, #tpu.memory_space<vmem>>) attributes {dimension_semantics = [], scalar_prefetch = 0 : i64, scratch_operands = 0 : i64, tpu.core_type = #tpu.core_type<tc>} {
    %get3A = arith.constant 0 : index
    %get3A_0 = arith.constant 0 : index
    %get3A_1 = arith.constant 0 : index
    %get3A_2 = vector.load %arg0[%get3A, %get3A_0, %get3A_1] : memref<2x10240x128xf32, #tpu.memory_space<vmem>>, vector<1x10240x128xf32>
    %get3A_3 = vector.shape_cast %get3A_2 : vector<1x10240x128xf32> to vector<10240x128xf32>
    %get3A_4 = arith.constant 1 : index
    %get3A_5 = arith.constant 0 : index
    %get3A_6 = arith.constant 0 : index
    %get3A_7 = vector.load %arg0[%get3A_4, %get3A_5, %get3A_6] : memref<2x10240x128xf32, #tpu.memory_space<vmem>>, vector<1x10240x128xf32>
    %get3A_8 = vector.shape_cast %get3A_7 : vector<1x10240x128xf32> to vector<10240x128xf32>
    %add3A = arith.addf %get3A_3, %get3A_8 : vector<10240x128xf32>
    %reduce_sum3A = arith.constant dense<0.000000e+00> : vector<128xf32>
    %reduce_sum3A_9 = vector.multi_reduction <add>, %add3A, %reduce_sum3A [0] : vector<10240x128xf32> to vector<128xf32>
    %mul3A = arith.mulf %add3A, %add3A : vector<10240x128xf32>
    %reduce_sum3A_10 = arith.constant dense<0.000000e+00> : vector<128xf32>
    %reduce_sum3A_11 = vector.multi_reduction <add>, %mul3A, %reduce_sum3A_10 [0] : vector<10240x128xf32> to vector<128xf32>
    %div3A = arith.constant 1.000000e+04 : f32
    %div3A_12 = vector.broadcast %div3A : f32 to vector<128xf32>
    %div3A_13 = arith.divf %reduce_sum3A_9, %div3A_12 : vector<128xf32>
    %div3A_14 = arith.constant 1.000000e+04 : f32
    %div3A_15 = vector.broadcast %div3A_14 : f32 to vector<128xf32>
    %div3A_16 = arith.divf %reduce_sum3A_11, %div3A_15 : vector<128xf32>
    %mul3A_17 = arith.mulf %div3A_13, %div3A_13 : vector<128xf32>
    %sub3A = arith.subf %div3A_16, %mul3A_17 : vector<128xf32>
    %add3A_18 = arith.constant 9.99999974E-6 : f32
    %add3A_19 = vector.broadcast %add3A_18 : f32 to vector<128xf32>
    %add3A_20 = arith.addf %sub3A, %add3A_19 : vector<128xf32>
    %rsqrt3A = math.rsqrt %add3A_20 : vector<128xf32>
    %get3A_21 = arith.constant 0 : index
    %get3A_22 = vector.load %arg1[%get3A_21] : memref<128xf32, #tpu.memory_space<vmem>>, vector<128xf32>
    %broadcast_in_dim3A = vector.shape_cast %div3A_13 : vector<128xf32> to vector<1x128xf32>
    %sub3A_23 = vector.broadcast %broadcast_in_dim3A : vector<1x128xf32> to vector<10240x128xf32>
    %sub3A_24 = arith.subf %add3A, %sub3A_23 : vector<10240x128xf32>
    %broadcast_in_dim3A_25 = vector.shape_cast %get3A_22 : vector<128xf32> to vector<1x128xf32>
    %mul3A_26 = vector.broadcast %broadcast_in_dim3A_25 : vector<1x128xf32> to vector<10240x128xf32>
    %mul3A_27 = arith.mulf %mul3A_26, %sub3A_24 : vector<10240x128xf32>
    %broadcast_in_dim3A_28 = vector.shape_cast %rsqrt3A : vector<128xf32> to vector<1x128xf32>
    %mul3A_29 = vector.broadcast %broadcast_in_dim3A_28 : vector<1x128xf32> to vector<10240x128xf32>
    %mul3A_30 = arith.mulf %mul3A_27, %mul3A_29 : vector<10240x128xf32>
    %get3A_31 = arith.constant 0 : index
    %get3A_32 = vector.load %arg2[%get3A_31] : memref<128xf32, #tpu.memory_space<vmem>>, vector<128xf32>
    %broadcast_in_dim3A_33 = vector.shape_cast %get3A_32 : vector<128xf32> to vector<1x128xf32>
    %add3A_34 = vector.broadcast %broadcast_in_dim3A_33 : vector<1x128xf32> to vector<10240x128xf32>
    %add3A_35 = arith.addf %mul3A_30, %add3A_34 : vector<10240x128xf32>
    %max3A = arith.constant 0.000000e+00 : f32
    %max3A_36 = vector.broadcast %max3A : f32 to vector<10240x128xf32>
    %max3A_37 = arith.maximumf %add3A_35, %max3A_36 : vector<10240x128xf32>
    %swap3A = arith.constant 0 : index
    %swap3A_38 = arith.constant 0 : index
    %swap3A_39 = vector.load %arg4[%swap3A, %swap3A_38] : memref<10240x128xf32, #tpu.memory_space<vmem>>, vector<10240x128xf32>
    tpu.vector_store %arg4[%swap3A, %swap3A_38], %max3A_37 {strides = array<i32>} : memref<10240x128xf32, #tpu.memory_space<vmem>>, vector<10240x128xf32>,
    %get3A_40 = arith.constant 0 : index
    %get3A_41 = arith.constant 0 : index
    %get3A_42 = vector.load %arg3[%get3A_40, %get3A_41] : memref<128x128xf32, #tpu.memory_space<vmem>>, vector<128x128xf32>
    %dot_general3A = arith.constant dense<0.000000e+00> : vector<10240x128xf32>
    %dot_general3A_43 = tpu.matmul %max3A_37, %get3A_42, %dot_general3A {dimension_numbers = #tpu.dot_dimension_numbers<[1], [0], [0], [1], [0, 0, 1, 1], [], []>, precision = #tpu.contract_precision<fp32>, transpose_lhs_hint = false} : vector<10240x128xf32>, vector<128x128xf32>, vector<10240x128xf32> -> vector<10240x128xf32>
    %swap3A_44 = arith.constant 0 : index
    %swap3A_45 = arith.constant 0 : index
    %swap3A_46 = vector.load %arg5[%swap3A_44, %swap3A_45] : memref<10240x128xf32, #tpu.memory_space<vmem>>, vector<10240x128xf32>
    tpu.vector_store %arg5[%swap3A_44, %swap3A_45], %dot_general3A_43 {strides = array<i32>} : memref<10240x128xf32, #tpu.memory_space<vmem>>, vector<10240x128xf32>,
    return
  }
}

module attributes {stable_mosaic.version = 14 : i64} {
  func.func @body(%arg0: memref<10240x128xf32, #tpu.memory_space<vmem>>, %arg1: memref<2x10240x128xf32, #tpu.memory_space<vmem>>, %arg2: memref<128xf32, #tpu.memory_space<vmem>>, %arg3: memref<128x128xf32, #tpu.memory_space<vmem>>, %arg4: memref<128xf32, #tpu.memory_space<vmem>>, %arg5: memref<10240x128xf32, #tpu.memory_space<vmem>>) attributes {dimension_semantics = [], scalar_prefetch = 0 : i64, scratch_operands = 0 : i64, tpu.core_type = #tpu.core_type<tc>} {
    %get3A = arith.constant 0 : index
    %get3A_0 = arith.constant 0 : index
    %get3A_1 = arith.constant 0 : index
    %get3A_2 = vector.load %arg1[%get3A, %get3A_0, %get3A_1] : memref<2x10240x128xf32, #tpu.memory_space<vmem>>, vector<1x10240x128xf32>
    %get3A_3 = vector.shape_cast %get3A_2 : vector<1x10240x128xf32> to vector<10240x128xf32>
    %get3A_4 = arith.constant 1 : index
    %get3A_5 = arith.constant 0 : index
    %get3A_6 = arith.constant 0 : index
    %get3A_7 = vector.load %arg1[%get3A_4, %get3A_5, %get3A_6] : memref<2x10240x128xf32, #tpu.memory_space<vmem>>, vector<1x10240x128xf32>
    %get3A_8 = vector.shape_cast %get3A_7 : vector<1x10240x128xf32> to vector<10240x128xf32>
    %add3A = arith.addf %get3A_3, %get3A_8 : vector<10240x128xf32>
    %get3A_9 = arith.constant 0 : index
    %get3A_10 = vector.load %arg2[%get3A_9] : memref<128xf32, #tpu.memory_space<vmem>>, vector<128xf32>
    %broadcast_in_dim3A = vector.shape_cast %get3A_10 : vector<128xf32> to vector<1x128xf32>
    %add3A_11 = vector.broadcast %broadcast_in_dim3A : vector<1x128xf32> to vector<10240x128xf32>
    %add3A_12 = arith.addf %add3A, %add3A_11 : vector<10240x128xf32>
    %get3A_13 = arith.constant 0 : index
    %get3A_14 = arith.constant 0 : index
    %get3A_15 = vector.load %arg0[%get3A_13, %get3A_14] : memref<10240x128xf32, #tpu.memory_space<vmem>>, vector<10240x128xf32>
    %max3A = arith.maximumf %get3A_15, %add3A_12 : vector<10240x128xf32>
    %get3A_16 = arith.constant 0 : index
    %get3A_17 = arith.constant 0 : index
    %get3A_18 = vector.load %arg3[%get3A_16, %get3A_17] : memref<128x128xf32, #tpu.memory_space<vmem>>, vector<128x128xf32>
    %dot_general3A = arith.constant dense<0.000000e+00> : vector<10240x128xf32>
    %dot_general3A_19 = tpu.matmul %max3A, %get3A_18, %dot_general3A {dimension_numbers = #tpu.dot_dimension_numbers<[1], [0], [0], [1], [0, 0, 1, 1], [], []>, precision = #tpu.contract_precision<fp32>, transpose_lhs_hint = false} : vector<10240x128xf32>, vector<128x128xf32>, vector<10240x128xf32> -> vector<10240x128xf32>
    %get3A_20 = arith.constant 0 : index
    %get3A_21 = vector.load %arg4[%get3A_20] : memref<128xf32, #tpu.memory_space<vmem>>, vector<128xf32>
    %broadcast_in_dim3A_22 = vector.shape_cast %get3A_21 : vector<128xf32> to vector<1x128xf32>
    %add3A_23 = vector.broadcast %broadcast_in_dim3A_22 : vector<1x128xf32> to vector<10240x128xf32>
    %add3A_24 = arith.addf %dot_general3A_19, %add3A_23 : vector<10240x128xf32>
    %iota3A = tpu.iota {dimensions = array<i32: 1>} : vector<10240x128xi32>
    %lt3A = arith.constant 40 : i32
    %lt3A_25 = vector.broadcast %lt3A : i32 to vector<10240x128xi32>
    %lt3A_26 = arith.cmpi slt, %iota3A, %lt3A_25 : vector<10240x128xi32>
    %jit3A = arith.constant 0xFF800000 : f32
    %broadcast_in_dim3A_27 = vector.broadcast %jit3A : f32 to vector<10240x128xf32>
    %select_n3A = arith.select %lt3A_26, %add3A_24, %broadcast_in_dim3A_27 : vector<10240x128xi1>, vector<10240x128xf32>
    %reduce_max3A = arith.constant dense<0xFF800000> : vector<10240xf32>
    %reduce_max3A_28 = vector.multi_reduction <maximumf>, %select_n3A, %reduce_max3A [1] : vector<10240x128xf32> to vector<10240xf32>
    %broadcast_in_dim3A_29 = vector.shape_cast %reduce_max3A_28 : vector<10240xf32> to vector<10240x1xf32>
    %sub3A = vector.broadcast %broadcast_in_dim3A_29 : vector<10240x1xf32> to vector<10240x128xf32>
    %sub3A_30 = arith.subf %select_n3A, %sub3A : vector<10240x128xf32>
    %exp3A = math.exp %sub3A_30 : vector<10240x128xf32>
    %reduce_sum3A = arith.constant dense<0.000000e+00> : vector<10240xf32>
    %reduce_sum3A_31 = vector.multi_reduction <add>, %exp3A, %reduce_sum3A [1] : vector<10240x128xf32> to vector<10240xf32>
    %broadcast_in_dim3A_32 = vector.shape_cast %reduce_sum3A_31 : vector<10240xf32> to vector<10240x1xf32>
    %log3A = math.log %broadcast_in_dim3A_32 : vector<10240x1xf32>
    %add3A_33 = arith.addf %log3A, %broadcast_in_dim3A_29 : vector<10240x1xf32>
    %sub3A_34 = vector.broadcast %add3A_33 : vector<10240x1xf32> to vector<10240x128xf32>
    %sub3A_35 = arith.subf %add3A_24, %sub3A_34 : vector<10240x128xf32>
    %swap3A = arith.constant 0 : index
    %swap3A_36 = arith.constant 0 : index
    %swap3A_37 = vector.load %arg5[%swap3A, %swap3A_36] : memref<10240x128xf32, #tpu.memory_space<vmem>>, vector<10240x128xf32>
    tpu.vector_store %arg5[%swap3A, %swap3A_36], %sub3A_35 {strides = array<i32>} : memref<10240x128xf32, #tpu.memory_space<vmem>>, vector<10240x128xf32>,
    return
  }
}

</mosaic_0001>

<sc_bundles>
// kernel: kernel.10.cloned.1.call-start
scs
__scs_entry_jumppad:
0x0: {  	(pc) =	sbr.rel $0x88, $3  }
0x1: {  	(tag) =	ssettag $0x0;
	lr =	simm.s32 $0x1  }
0x2: {  	[smem:$0x3F97] =	sst lr;
	_ =	strace $0xD0000000  }
0x3: {  	_ = 	snop  }
0x4: {  	_ = 	snop  }
0x5: {  	_ = 	snop  }
0x6: {  	_ = 	snop  }
0x7: {  	_ = 	snop  }
__scs_overlays_trampoline_lowered:
0x8: {  	[smem:$0x3FA6] =	sst s0  }
0x9: {  	[smem:$0x3FA7] =	sst s1  }
0xa: {  	[smem:$0x3FA8] =	sst s2  }
0xb: {  	[smem:$0x3FA9] =	sst s3  }
0xc: {  	[smem:$0x3FAA] =	sst s4  }
0xd: {  	[smem:$0x3FAB] =	sst s5  }
0xe: {  	[smem:$0x3FAC] =	sst s6  }
0xf: {  	[smem:$0x3FAD] =	sst s7  }
0x10: {  	[smem:$0x3FAE] =	sst s8  }
0x11: {  	[smem:$0x3FAF] =	sst s9;
	s0 =	simm.s32 @!p0 $0x0  }
0x12: {  	s1 =	sld [smem:$0x3F95];
	s0 =	simm.s32 @p0 $0x1  }
0x13: {  	[smem:$0x3FB0] =	sst s0;
	s0 =	simm.s32 @!p1 $0x0  }
0x14: {  	s2 =	sld [smem:$0x3F94];
	s0 =	simm.s32 @p1 $0x1  }
0x15: {  	[smem:$0x3FB1] =	sst s0;
	s0 =	simm.s32 @!p2 $0x0  }
0x16: {  	s3 =	sld [smem:$0x3FDB];
	s0 =	simm.s32 @p2 $0x1  }
0x17: {  	s4 =	simm.s32 $0x1BF5;
	[smem:$0x3FB3] =	sst s0  }
0x18: {  	s0 =	sld [smem:$0x3F96];
	_ =	swait.ge [sflag:s4], $0x0  }
0x19: {  	s7 =	sld [smem:$0x3F97]  }
0x1a: {  	s8 =	sadd.s32 $0xFFFFE003, lr  }
0x1b: {  	s9 =	sadd.s32 $0xFFFFFEF7, lr;
	s5 =	simm.s32 $0xFFFFFFFF;
	p2 =	slt.u32 s8, $0xFFFFF086  }
0x1c: {  	p1 =	slt.u32 s9, $0xF7A;
	s5 =	simm.s32 @!p2 $0x0  }
0x1d: {  	s5 =	simm.s32 @p1 $0x1;
	p0 =	seq.s32 s7, s2  }
0x1e: {  	s7 =	smul.u32 @!p0 $0xF7A, s2;
	p2 =	seq.s32 @!p0 s5, $0x0  }
0x1f: {  	s9 =	smul.u32 $0xF7A, s1;
	s8 =	simm.s32 @!p0 $0x1BF5;
	p2 =	por !p2, p0  }
0x20: {  	[sflag:s8] =	ssyncset.s32 @!p0 $0xFFFFF086;
	s6 =	sadd.s32 @!p0 s3, s7;
	s7 =	simm.s32 @!p0 $0x108  }
0x21: {  	s3 =	sadd.s32 s3, s9;
	s6 =	sadd.s32 @!p0 $0x88, s6;
	s7 =	simm.s32 @p2 $0x1082  }
0x22: {  	[simem:s7], [sflag:s8] =	dma.local @!p0 [hbm:s6], $0xF7A  }
0x23: {  	s9 =	sor.u32 $0xD0000000, s2;
	s6 =	simm.s32 $0x108;
	_ =	swait.ge @!p0 [sflag:s8], $0x0  }
0x24: {  	s3 =	sadd.s32 $0x88, s3;
	s6 =	simm.s32 @!p1 $0x1082;
	[sflag:s4] =	ssyncset.s32 $0xFFFFF086  }
0x25: {  	[simem:s6], [sflag:s4] =	dma.local [hbm:s3], $0xF7A  }
0x26: {  	[smem:$0x3F97] =	sst s1;
	(tag) =	ssettag s2;
	_ =	strace s9  }
0x27: {  	s1 =	sld [smem:$0x3FA7]  }
0x28: {  	s2 =	sld [smem:$0x3FA8]  }
0x29: {  	s4 =	sld [smem:$0x3FAA]  }
0x2a: {  	p0 =	seq.s32 s5, $0x0;
	s5 =	sld [smem:$0x3FAB]  }
0x2b: {  	s6 =	sld [smem:$0x3FAC]  }
0x2c: {  	s7 =	sld [smem:$0x3FAD]  }
0x2d: {  	s3 =	simm.s32 $0x108;
	s8 =	sld [smem:$0x3FAE]  }
0x2e: {  	s3 =	simm.s32 @!p0 $0x1082;
	s9 =	sld [smem:$0x3FAF]  }
0x2f: {  	lr =	sadd.s32 s0, s3;
	s0 =	sld [smem:$0x3FA6]  }
0x30: {  	s3 =	sld [smem:$0x3FA9]  }
0x31: {  	[smem:$0x3FB2] =	sst s10  }
0x32: {  	s10 =	sld [smem:$0x3FB0];
	_ =	sdelay $0x3  }
0x33: {  	p0 =	seq.s32 s10, $0x1;
	s10 =	sld [smem:$0x3FB2];
	_ =	sdelay $0x3  }
0x34: {  	[smem:$0x3FB2] =	sst s10  }
0x35: {  	s10 =	sld [smem:$0x3FB1];
	_ =	sdelay $0x3  }
0x36: {  	p1 =	seq.s32 s10, $0x1;
	s10 =	sld [smem:$0x3FB2];
	_ =	sdelay $0x3  }
0x37: {  	[smem:$0x3FB2] =	sst s10  }
0x38: {  	s10 =	sld [smem:$0x3FB3]  }
0x39: {  	_ = 	snop;
	(pc) =	sbr.ind lr, $3  }
0x3a: {  	_ = 	snop  }
0x3b: {  	_ = 	snop  }
0x3c: {  	p2 =	seq.s32 s10, $0x1;
	s10 =	sld [smem:$0x3FB2]  }
0x3d: {  	_ =	shalt  }
0x3e: {  	_ =	shalt  }
0x3f: {  	_ =	shalt  }
0x40: {  	_ =	shalt  }
0x41: {  	_ =	shalt  }
0x42: {  	_ =	shalt  }
0x43: {  	_ =	shalt  }
0x44: {  	_ =	shalt  }
0x45: {  	_ =	shalt  }
0x46: {  	_ =	shalt  }
0x47: {  	_ =	shalt  }
0x48: {  	_ =	shalt  }
0x49: {  	_ =	shalt  }
0x4a: {  	_ =	shalt  }
0x4b: {  	_ =	shalt  }
0x4c: {  	_ =	shalt  }
0x4d: {  	_ =	shalt  }
0x4e: {  	_ =	shalt  }
0x4f: {  	_ =	shalt  }
0x50: {  	_ =	shalt  }
0x51: {  	_ =	shalt  }
0x52: {  	_ =	shalt  }
0x53: {  	_ =	shalt  }
0x54: {  	_ =	shalt  }
0x55: {  	_ =	shalt  }
0x56: {  	_ =	shalt  }
0x57: {  	_ =	shalt  }
0x58: {  	_ =	shalt  }
0x59: {  	_ =	shalt  }
0x5a: {  	_ =	shalt  }
0x5b: {  	_ =	shalt  }
0x5c: {  	_ =	shalt  }
0x5d: {  	_ =	shalt  }
0x5e: {  	_ =	shalt  }
0x5f: {  	_ =	shalt  }
0x60: {  	_ =	shalt  }
0x61: {  	_ =	shalt  }
0x62: {  	_ =	shalt  }
0x63: {  	_ =	shalt  }
0x64: {  	_ =	shalt  }
0x65: {  	_ =	shalt  }
0x66: {  	_ =	shalt  }
0x67: {  	_ =	shalt  }
0x68: {  	_ =	shalt  }
0x69: {  	_ =	shalt  }
0x6a: {  	_ =	shalt  }
0x6b: {  	_ =	shalt  }
0x6c: {  	_ =	shalt  }
0x6d: {  	_ =	shalt  }
0x6e: {  	_ =	shalt  }
0x6f: {  	_ =	shalt  }
0x70: {  	_ =	shalt  }
0x71: {  	_ =	shalt  }
0x72: {  	_ =	shalt  }
0x73: {  	_ =	shalt  }
0x74: {  	_ =	shalt  }
0x75: {  	_ =	shalt  }
0x76: {  	_ =	shalt  }
0x77: {  	_ =	shalt  }
0x78: {  	_ =	shalt  }
0x79: {  	_ =	shalt  }
0x7a: {  	_ =	shalt  }
0x7b: {  	_ =	shalt  }
0x7c: {  	_ =	shalt  }
0x7d: {  	_ =	shalt  }
0x7e: {  	_ =	shalt  }
0x7f: {  	_ =	shalt  }
0x80: {  	_ =	shalt  }
0x81: {  	_ =	shalt  }
0x82: {  	_ =	shalt  }
0x83: {  	_ =	shalt  }
0x84: {  	_ =	shalt  }
0x85: {  	_ =	shalt  }
0x86: {  	_ =	shalt  }
0x87: {  	_ =	shalt  }
.Lfunc_end0:
.L_simem_size_0:
called_computation.1_lowered:
.L_overlay_start_0:
0x88: {  	s2 =	sld [smem:$0x3FD9]  }
0x89: {  	s3 =	sld [smem:$0x3FFE];
	_ =	sdelay $0x1  }
0x8a: {  	s1 =	srdreg.scid  }
0x8b: {  	s0 =	sand.u32 $0x1, s1  }
0x8c: {  	s17 =	sshll.u32 s0, $0xA;
	s2 =	sadd.s32 s3, s2  }
0x8d: {  	s2 =	sadd.s32 s2, s17  }
0x8e: {  	[smem:$0x3FBE] =	sst s2  }
0x8f: {  	_ = 	snop  }
0x90: {  	s2 =	sld [smem:$0x3FD0];
	(tm) =	ssettm $0x1  }
0x91: {  	s18 =	sld [smem:$0x3FFB];
	_ =	sdelay $0x3  }
0x92: {  	_ =	strace s18  }
0x93: {  	s3 =	sld [smem:$0x3FFC];
	_ =	sdelay $0x3  }
0x94: {  	_ =	strace s3  }
0x95: {  	s3 =	sld [smem:$0x3FFD];
	_ =	sdelay $0x3  }
0x96: {  	_ =	strace s3  }
0x97: {  	_ =	strace $0x8FFFFFFF  }
0x98: {  	s19 =	sld [smem:$0x3FDB];
	_ =	sdelay $0x1  }
0x99: {  	s4 =	simm.s32 $_scs_section_size  }
0x9a: {  	s5 =	simm.s32 $_size__tile_overlayer_lowered;
	s6 =	simm.s32 $_tile_overlayer_lowered  }
0x9b: {  	s22 =	simm.s32 $0x1BFF;
	s21 =	sshll.u32 s6, $0x1;
	s3 =	sadd.s32 s4, s19  }
0x9c: {  	s7 =	simm.s32 $0x0;
	s20 =	sshll.u32 s5, $0x1;
	s5 =	sadd.s32 s21, s3  }
0x9d: {  	[timem:s7], [sflag:s22] =	dma.local [hbm:s5], s20  }
0x9e: {  	_ =	swait.ge [sflag:s22], s20  }
0x9f: {  	s4 =	ssub.s32 $0x0, s20;
	[sflag:s22] =	ssyncset.done $0x0  }
0xa0: {  	[sflag:s22] =	ssyncadd.s32 s4;
	_ =	sdelay $0x1  }
0xa1: {  	s23 =	simm.s32 $0x1B8B  }
0xa2: {  	_ =	swait.ge [sflag:s23], $0x1  }
0xa3: {  	[sflag:s23] =	ssyncset.done $0x0  }
0xa4: {  	s25 =	simm.s32 $0x1B8E;
	s24 =	sld [smem:$0x3FFE];
	[sflag:s23] =	ssyncadd.s32 $0xFFFFFFFF  }
0xa5: {  	s26 =	simm.s32 $execute0_lowered;
	[smem:$0x3FD2] =	sst s25  }
0xa6: {  	s5 =	sshll.u32 s26, $0x1;
	_ =	strace $0x80000049;
	[dreg:$0x1] =	wrdreg $0xFFFFFFFF  }
0xa7: {  	s28 =	simm.s32 $_size_execute0_lowered;
	s3 =	sadd.s32 s3, s5;
	[dreg:$0x0] =	wrdreg $0x0  }
0xa8: {  	s5 =	sshll.u32 s28, $0x1;
	[dreg:$0x2] =	wrdreg s3  }
0xa9: {  	[dreg:$0x3] =	wrdreg s5  }
0xaa: {  	[dreg:$0x4] =	wrdreg $0xC0  }
0xab: {  	_ =	task [dreg:s7], $0x5FFFF  }
0xac: {  	[dreg:$0x1] =	wrdreg $0xFFFFFFFF  }
0xad: {  	[dreg:$0x0] =	wrdreg $0x60  }
0xae: {  	[dreg:$0x2] =	wrdreg s24  }
0xaf: {  	[dreg:$0x3] =	wrdreg s2  }
0xb0: {  	[dreg:$0x4] =	wrdreg $0x70000  }
0xb1: {  	[dreg:$0x5] =	wrdreg $0x9  }
0xb2: {  	_ =	task.clear_ibuf [dreg:s7], $0x6FFFF;
	_ =	strace $0x90000049  }
0xb3: {  	s29 =	simm.s32 $0x9;
	_ =	strace $0x8000004B  }
0xb4: {  	_ =	swait.ge [sflag:s29], $0x1  }
0xb5: {  	[sflag:s29] =	ssyncadd.s32 $0xFFFFFFFF  }
0xb6: {  	_ =	strace $0x9000004B  }
0xb7: {  	_ =	sfence  }
0xb8: {  	s30 =	sld [smem:$0x0];
	_ =	sdelay $0x2  }
0xb9: {  	s31 =	sshll.u32 s1, $0xD;
	s1 =	sshrl.u32 s1, $0x2  }
0xba: {  	s3 =	sand.u32 $0x4000, s31;
	s1 =	sadd.s32 s1, s30  }
0xbb: {  	s0 =	sor.u32 s3, s0;
	s1 =	sshll.u32 s1, $0x11  }
0xbc: {  	s0 =	sor.u32 s1, s0  }
0xbd: {  	s0 =	sadd.s32 $0x8F2B, s0  }
0xbe: {  	[sflag:s0] =	ssyncadd.remote.s32 $0x1  }
0xbf: {  	_ =	sfence.sel $0xFFFF  }
0xc0: {  	[dreg:$0x0] =	wrdreg $0xFFFFFFFF;
	(pc) =	sbr.abs _section_cstart, $3  }
0xc1: {  	[dreg:$0x1] =	wrdreg $0xFFFFFFFF  }
0xc2: {  	_ =	task.clear_ibuf [dreg:s7], $0x2FFFF;
	_ =	strace $0x9FFFFFFF  }
0xc3: {  	(tm) =	ssettm $0x7FFFFFFF  }
tec
execute0_lowered:
.L_overlay_start_1:
0x0: {  	(tag) =	ssettag $0x1  }
0x1: {  	s0 =	rddreg [dreg:$0x0]  }
0x2: {  	s7 =	rddreg [dreg:$0x1]  }
0x3: {  	s1 =	rddreg [dreg:$0x2];
	s2 =	simm.s32 $0x0;
	s3 =	srdreg.scid  }
0x4: {  	s16 =	simm.s32 $0x80;
	s17 =	simm.s32 $0x400;
	s18 =	simm.s32 $0x2  }
0x5: {  	s19 =	simm.s32 $0x3000;
	s20 =	simm.s32 $0x2800;
	s21 =	simm.s32 $0x2C00  }
0x6: {  	s22 =	simm.s32 $0x1;
	s23 =	simm.s32 $0x0;
	[smem:$0x7FF] =	sst s2  }
0x7: {  	s8 =	sand.u32 $0x1, s3;
	s3 =	stileid.u32;
	s4 =	sadd.s32 $0x16200, s0  }
0x8: {  	s6 =	sadd.s32 $0xC200, s0;
	_ =	strace $0x8000004A;
	s9 =	smul.u32 $0x140000, s8  }
0x9: {  	s5 =	sshll.u32 s8, $0x4;
	s10 =	smul.u32 $0x14000, s3;
	s28 =	sshll.u32 s3, $0x7  }
0xa: {  	s12 =	smul.u32 $0x50000, s3;
	s8 =	ssub.s32 $0x2, s8;
	s13 =	sor.u32 s3, s5  }
0xb: {  	s5 =	sadd.s32 $0x2200, s0;
	s30 =	sshrl.u32 s8, $0x1;
	s11 =	sshrl.u32 s13, $0x3  }
0xc: {  	s9 =	sadd.s32 s10, s9;
	s31 =	sshrl.u32 s12, $0x2;
	s13 =	smul.u32 $0x2800, s13  }
0xd: {  	s15 =	ssub.s32 s8, s30;
	s26 =	smul.u32 $0x14000, s11;
	s9 =	sshrl.u32 s9, $0x3  }
0xe: {  	s11 =	sand.u32 $0x380, s28;
	s8 =	sadd.s32 s31, s1;
	s15 =	smax.u32 s15, $0x1  }
0xf: {  	s0 =	sadd.s32 s9, s0;
	s10 =	sadd.s32 $0x8000, s8;
	s29 =	sor.u32 s11, s26  }
0x10: {  	s12 =	sadd.s32 $0x10000, s8;
	s11 =	sadd.s32 $0xC000, s8;
	s9 =	sshrl.u32 s29, $0x3  }
0x11: {  	v0 =	vimm.f32 $0.0e+00;
	s14 =	sadd.s32 $0x3E200, s0;
	s7 =	sadd.s32 s7, s9;
	s9 =	sadd.s32 $0x4000, s8  }
.LBB2_1:
0x12: {  	s0 =	simm.s32 $0x0  }
0x13: {  	[tilespmem:s0], [sflag:$0x2] =	stream.strided.gather [hbm4b:s7+s16], $0x2800, s17, s16, $0x38;
	[tilespmem:$0x1B000] =	vst v63  }
0x14: {  	_ =	swait.ge [sflag:s18], $0x2800  }
0x15: {  	[sflag:s18] =	ssyncset.done $0x0  }
0x16: {  	s24 =	simm.s32 $0x200;
	s0 =	simm.s32 $0x0;
	[sflag:s18] =	ssyncadd.s32 $0xFFFFD800  }
.LBB2_2:
0x17: {  	p0 =	sne.s32 s24, $0xFE00;
	[tilespmem:s0+$0x3070] =	vst v0  }
0x18: {  	[tilespmem:s0+$0x3000] =	vst v0  }
0x19: {  	[tilespmem:s0+$0x3010] =	vst v0  }
.Ltmp0:
0x1a: {  	[tilespmem:s0+$0x3020] =	vst v0;
	(pc) =	sbr.rel @p0 .LBB2_2-.Ltmp0, $4  }
0x1b: {  	[tilespmem:s0+$0x3030] =	vst v0  }
0x1c: {  	[tilespmem:s0+$0x3040] =	vst v0  }
0x1d: {  	[tilespmem:s0+$0x3050] =	vst v0  }
0x1e: {  	[tilespmem:s0+$0x3060] =	vst v0;
	s0 =	sshra.s32 s24, $0x2;
	s24 =	sadd.s32 $0x200, s24  }
0x1f: {  	[tilespmem:s0+$0x3070] =	vst v0  }
0x20: {  	[tilespmem:s0+$0x3000] =	vst v0  }
0x21: {  	[tilespmem:s0+$0x3010] =	vst v0  }
0x22: {  	[tilespmem:s0+$0x3020] =	vst v0  }
0x23: {  	[tilespmem:s0+$0x3030] =	vst v0  }
0x24: {  	[tilespmem:s0+$0x3040] =	vst v0  }
0x25: {  	[tilespmem:s0+$0x3050] =	vst v0  }
0x26: {  	[tilespmem:s0+$0x3060] =	vst v0  }
0x27: {  	[spmem:s8] =	stream.linear.scatter [tilespmem:s19], [sflag:$0x2], $0x4000, $0x38;
	[tilespmem:$0x1B000] =	vst v63  }
0x28: {  	_ =	swait.ge [sflag:s18], $0x4000  }
0x29: {  	[sflag:s18] =	ssyncset.done $0x0  }
0x2a: {  	[sflag:s18] =	ssyncadd.s32 $0xFFFFC000  }
0x2b: {  	[spmem:s9] =	stream.linear.scatter [tilespmem:s19], [sflag:$0x2], $0x4000, $0x38;
	[tilespmem:$0x1B000] =	vst v63  }
0x2c: {  	_ =	swait.ge [sflag:s18], $0x4000  }
0x2d: {  	[sflag:s18] =	ssyncset.done $0x0  }
0x2e: {  	[sflag:s18] =	ssyncadd.s32 $0xFFFFC000  }
0x2f: {  	[spmem:s10] =	stream.linear.scatter [tilespmem:s19], [sflag:$0x2], $0x4000, $0x38;
	[tilespmem:$0x1B000] =	vst v63  }
0x30: {  	_ =	swait.ge [sflag:s18], $0x4000  }
0x31: {  	[sflag:s18] =	ssyncset.done $0x0  }
0x32: {  	[sflag:s18] =	ssyncadd.s32 $0xFFFFC000  }
0x33: {  	[spmem:s11] =	stream.linear.scatter [tilespmem:s19], [sflag:$0x2], $0x4000, $0x38;
	[tilespmem:$0x1B000] =	vst v63  }
0x34: {  	_ =	swait.ge [sflag:s18], $0x4000  }
0x35: {  	[sflag:s18] =	ssyncset.done $0x0  }
0x36: {  	[sflag:s18] =	ssyncadd.s32 $0xFFFFC000  }
0x37: {  	[spmem:s12] =	stream.linear.scatter [tilespmem:s19], [sflag:$0x2], $0x4000, $0x38;
	[tilespmem:$0x1B000] =	vst v63  }
0x38: {  	_ =	swait.ge [sflag:s18], $0x4000  }
0x39: {  	[sflag:s18] =	ssyncset.done $0x0  }
0x3a: {  	[sflag:s18] =	ssyncadd.s32 $0xFFFFC000  }
0x3b: {  	s24 =	simm.s32 $0x0;
	s25 =	simm.s32 $0x0;
	[bflag:$0x0] =	sbarrier.arrive $0xFFFF  }
.LBB2_4:
0x3c: {  	s0 =	sshll.u32 s25, $0xA  }
0x3d: {  	s26 =	sadd.s32 s13, s0  }
0x3e: {  	s26 =	sshrl.u32 s26, $0x3  }
0x3f: {  	s28 =	sadd.s32 s5, s26  }
0x40: {  	[tilespmem:s20], [sflag:$0x2] =	stream.linear.gather [hbm4b:s28+s24], $0x400, $0x38;
	[tilespmem:$0x1B000] =	vst v63  }
0x41: {  	_ =	swait.ge [sflag:s18], $0x400  }
0x42: {  	[sflag:s18] =	ssyncset.done $0x0  }
0x43: {  	s26 =	sadd.s32 s6, s26;
	[sflag:s18] =	ssyncadd.s32 $0xFFFFFC00  }
0x44: {  	[tilespmem:s21], [sflag:$0x2] =	stream.linear.gather [hbm4b:s26+s24], $0x400, $0x38;
	[tilespmem:$0x1B000] =	vst v63  }
0x45: {  	_ =	swait.ge [sflag:s18], $0x400  }
0x46: {  	[sflag:s18] =	ssyncset.done $0x0  }
0x47: {  	s28 =	simm.s32 $0x0;
	s26 =	sand.u32 $0x3FFFFC00, s0;
	[sflag:s18] =	ssyncadd.s32 $0xFFFFFC00  }
.LBB2_5:
0x48: {  	s0 =	sshll.u32 s28, $0x9;
	s30 =	simm.s32 $0x0  }
0x49: {  	s2 =	sshll.u32 s28, $0x7;
	s29 =	sshrl.u32 s0, $0x2;
	v2 =	vmov s30  }
0x4a: {  	v1 =	vmov s2;
	s30 =	sadd.s32 s29, s26;
	v2 =	vand.u32 $0x7F, v2  }
0x4b: {  	[tilespmem:s19], [sflag:$0x1] =	stream.indirect.gather [hbm4b:s4+s16], $0x80, s30, s16, $0xb8;
	v2 =	vadd.s32 v1, v2;
	[tilespmem:$0x1B000] =	vst v63  }
0x4c: {  	_ =	swait.ge [sflag:s22], $0x4000;
	v2 =	vbroadcast v2, $0x0  }
0x4d: {  	[sflag:s22] =	ssyncset.done $0x0  }
0x4e: {  	s30 =	simm.s32 $0x3040;
	[sflag:s22] =	ssyncadd.s32 $0xFFFFC000  }
0x4f: {  	v6 =	vld [tilespmem:s30+$0x30]  }
0x50: {  	v9 =	vld [tilespmem:s30+$0x10]  }
0x51: {  	v7 =	vld [tilespmem:s30+$0xFFFFFFC0]  }
0x52: {  	v3 =	vld.idx.msk [tilespmem:v2+s21+$0x0], $0xffff  }
0x53: {  	v12 =	vld [tilespmem:s30+$0xFFFFFFE0]  }
0x54: {  	v4 =	vld [tilespmem:s30+$0x20]  }
0x55: {  	v5 =	vld [tilespmem:s30+$0xFFFFFFD0]  }
0x56: {  	v2 =	vld [tilespmem:s30+$0xFFFFFFF0]  }
0x57: {  	v10 =	vmul.f32 v6, v3;
	v6 =	vld [tilespmem:s30+$0x0]  }
0x58: {  	s31 =	simm.s32 $0x1;
	v8 =	vmul.f32 v7, v3  }
0x59: {  	s0 =	simm.s32 $0x2;
	v11 =	vmov s31;
	s31 =	simm.s32 $0x3040;
	v7 =	vmul.f32 v12, v3;
	v9 =	vmul.f32 v9, v3  }
.LBB2_6:
0x5a: {  	p0 =	sne.s32 s0, $0x7F  }
0x5b: {  	v11 =	vand.u32 $0x7F, v11;
	v5 =	vmul.f32 v5, v3;
	v4 =	vmul.f32 v4, v3;
	[tilespmem:s30+$0x30] =	vst v10;
	s31 =	sadd.s32 $0x80, s31;
	s2 =	smov.u32 s0;
	s0 =	sadd.s32 $0x1, s0  }
0x5c: {  	v10 =	vadd.s32 v1, v11;
	[tilespmem:s30+$0xFFFFFFC0] =	vst v8;
	v8 =	vmul.f32 v2, v3;
	v3 =	vmul.f32 v6, v3  }
0x5d: {  	v6 =	vbroadcast v10, $0x0;
	[tilespmem:s30+$0x10] =	vst v9  }
0x5e: {  	[tilespmem:s30+$0xFFFFFFE0] =	vst v7  }
0x5f: {  	v2 =	vld [tilespmem:s31+$0xFFFFFFF0];
	[tilespmem:s30+$0xFFFFFFF0] =	vst v8  }
0x60: {  	v7 =	vld [tilespmem:s31+$0x30];
	[tilespmem:s30+$0x0] =	vst v3  }
0x61: {  	v9 =	vld [tilespmem:s31+$0x10];
	[tilespmem:s30+$0x20] =	vst v4  }
0x62: {  	v8 =	vld [tilespmem:s31+$0xFFFFFFC0];
	[tilespmem:s30+$0xFFFFFFD0] =	vst v5;
	s30 =	smov.u32 s31  }
0x63: {  	v3 =	vld.idx.msk [tilespmem:v6+s21+$0x0], $0xffff  }
0x64: {  	v12 =	vld [tilespmem:s31+$0xFFFFFFE0]  }
0x65: {  	v4 =	vld [tilespmem:s31+$0x20]  }
.Ltmp1:
0x66: {  	v5 =	vld [tilespmem:s31+$0xFFFFFFD0];
	(pc) =	sbr.rel @p0 .LBB2_6-.Ltmp1, $3  }
0x67: {  	v6 =	vld [tilespmem:s31+$0x0];
	_ =	sdelay $0x1  }
0x68: {  	v8 =	vmul.f32 v8, v3;
	v10 =	vmul.f32 v7, v3  }
0x69: {  	v11 =	vmov s2;
	v9 =	vmul.f32 v9, v3;
	v7 =	vmul.f32 v12, v3  }
0x6a: {  	[tilespmem:s30+$0x30] =	vst v10;
	v58 =	vand.u32 $0x7F, v11  }
0x6b: {  	[tilespmem:s30+$0xFFFFFFC0] =	vst v8;
	v1 =	vadd.s32 v1, v58  }
0x6c: {  	v2 =	vmul.f32 v2, v3;
	[tilespmem:s30+$0x10] =	vst v9;
	v1 =	vbroadcast v1, $0x0  }
0x6d: {  	s0 =	sadd.s32 $0x80, s31;
	[tilespmem:s30+$0xFFFFFFE0] =	vst v7;
	v6 =	vmul.f32 v6, v3  }
0x6e: {  	v4 =	vmul.f32 v4, v3;
	v3 =	vmul.f32 v5, v3;
	v7 =	vld [tilespmem:s0+$0xFFFFFFF0];
	[tilespmem:s30+$0xFFFFFFF0] =	vst v2  }
0x6f: {  	v2 =	vld [tilespmem:s0+$0x30];
	[tilespmem:s30+$0x0] =	vst v6  }
0x70: {  	v60 =	vld [tilespmem:s0+$0xFFFFFFC0];
	[tilespmem:s30+$0xFFFFFFD0] =	vst v3  }
0x71: {  	v59 =	vld [tilespmem:s0+$0x10];
	[tilespmem:s30+$0x20] =	vst v4  }
0x72: {  	v1 =	vld.idx.msk [tilespmem:v1+s21+$0x0], $0xffff;
	_ =	sdelay $0x2  }
0x73: {  	v6 =	vld [tilespmem:s0+$0x0]  }
0x74: {  	v3 =	vld [tilespmem:s0+$0xFFFFFFE0]  }
0x75: {  	v2 =	vmul.f32 v2, v1  }
0x76: {  	v61 =	vld [tilespmem:s0+$0x20];
	v4 =	vmul.f32 v60, v1  }
0x77: {  	v62 =	vld [tilespmem:s0+$0xFFFFFFD0];
	v5 =	vmul.f32 v59, v1;
	[tilespmem:s0+$0x30] =	vst v2  }
0x78: {  	v63 =	vmul.f32 v6, v1;
	[tilespmem:s0+$0xFFFFFFC0] =	vst v4  }
0x79: {  	v2 =	vmul.f32 v3, v1;
	[tilespmem:s0+$0x10] =	vst v5  }
0x7a: {  	v3 =	vmul.f32 v7, v1;
	[tilespmem:s0+$0x0] =	vst v63  }
0x7b: {  	[tilespmem:s0+$0xFFFFFFE0] =	vst v2;
	v2 =	vmul.f32 v61, v1  }
0x7c: {  	s28 =	sadd.s32 $0x1, s28;
	[tilespmem:s0+$0xFFFFFFF0] =	vst v3;
	v1 =	vmul.f32 v62, v1  }
0x7d: {  	p0 =	sne.s32 s28, $0x8;
	[tilespmem:s0+$0x20] =	vst v2  }
.Ltmp2:
0x7e: {  	s31 =	sadd.s32 $0x2800, s29;
	[tilespmem:s0+$0xFFFFFFD0] =	vst v1;
	(pc) =	sbr.rel @p0 .LBB2_5-.Ltmp2, $4  }
0x7f: {  	[spmem:s1] =	stream.indirect.scatter.add.f32 [tilespmem:s19], [sflag:$0x2], $0x80, s31, s16, $0xb8;
	[tilespmem:$0x1B000] =	vst v63  }
0x80: {  	_ =	swait.ge [sflag:s18], $0x4000  }
0x81: {  	[sflag:s18] =	ssyncset.done $0x0  }
0x82: {  	[sflag:s18] =	ssyncadd.s32 $0xFFFFC000  }
0x83: {  	s25 =	sadd.s32 $0x1, s25  }
0x84: {  	p0 =	sne.s32 s25, $0xA  }
.Ltmp3:
0x85: {  	_ = 	snop;
	(pc) =	sbr.rel @p0 .LBB2_4-.Ltmp3, $1  }
0x86: {  	_ =	sdelay $0x3  }
0x87: {  	s23 =	sadd.s32 $0x1, s23  }
0x88: {  	s0 =	sshll.u32 s3, $0x6;
	[bflag:$0x0] =	sbarrier.arrive $0xFFFF;
	p0 =	sne.s32 s23, s15  }
.Ltmp4:
0x89: {  	s2 =	sshrl.u32 s8, $0x3;
	s0 =	sor.u32 $0x1C02, s0;
	(pc) =	sbr.rel @p0 .LBB2_1-.Ltmp4, $4  }
0x8a: {  	[hbm:s14], [sflag:s0] =	dma.local [spmem:s2], $0x2800  }
0x8b: {  	_ =	swait.ge [sflag:s18], $0x2800  }
0x8c: {  	[sflag:s18] =	ssyncset.done $0x0  }
0x8d: {  	[sflag:s18] =	ssyncadd.s32 $0xFFFFD800  }
0x8e: {  	_ =	sfence.sel $0x180000  }
0x8f: {  	[bflag:$0x0] =	sbarrier.arrive $0xFFFF  }
0x90: {  	_ =	strace $0x9000004A  }
0x91: {  	[bflag:$0x2] =	sbarrier.arrive $0xFFFF  }
0x92: {  	p0 =	sne.s32 s3, $0x0;
	s0 =	rddreg [dreg:$0x3]  }
0x93: {  	s0 =	sadd.s32 @!p0 $0x100000, s0  }
0x94: {  	[sflag:s0] =	ssyncadd.tile.s32 @!p0 $0x1;
	_ =	shalt  }
.Lfunc_end2:
_tile_overlayer_lowered:
.L_overlay_start_2:
0x95: {  	(tag) =	ssettag $0x2  }
0x96: {  	s0 =	rddreg [dreg:$0x0];
	s2 =	stileid.u32  }
0x97: {  	s1 =	rddreg [dreg:$0x1];
	p0 =	sne.s32 s2, $0x0  }
0x98: {  	s3 =	rddreg [dreg:$0x2];
	[bflag:$0x3] =	sbarrier.arrive $0xFFFF;
	s2 =	simm.s32 @!p0 $0x1C02  }
0x99: {  	[timem:s3], [sflag:s2] =	dma.local @!p0 [hbm:s0], s1  }
0x9a: {  	s0 =	simm.s32 @!p0 $0x2  }
0x9b: {  	_ =	swait.ge @!p0 [sflag:s0], s1  }
0x9c: {  	s1 =	ssub.s32 @!p0 $0x0, s1;
	[sflag:s0] =	ssyncset.done @!p0 $0x0  }
0x9d: {  	[sflag:s0] =	ssyncadd.s32 @!p0 s1  }
0x9e: {  	[bflag:$0x3] =	sbarrier.arrive $0xFFFF  }
0x9f: {  	_ =	shalt  }

// kernel: kernel.7.cloned.1.call-start
scs
__scs_entry_jumppad:
0x0: {  	(pc) =	sbr.rel $0x88, $3  }
0x1: {  	(tag) =	ssettag $0x0;
	lr =	simm.s32 $0x1  }
0x2: {  	[smem:$0x3F97] =	sst lr;
	_ =	strace $0xD0000000  }
0x3: {  	_ = 	snop  }
0x4: {  	_ = 	snop  }
0x5: {  	_ = 	snop  }
0x6: {  	_ = 	snop  }
0x7: {  	_ = 	snop  }
__scs_overlays_trampoline_lowered:
0x8: {  	[smem:$0x3FA6] =	sst s0  }
0x9: {  	[smem:$0x3FA7] =	sst s1  }
0xa: {  	[smem:$0x3FA8] =	sst s2  }
0xb: {  	[smem:$0x3FA9] =	sst s3  }
0xc: {  	[smem:$0x3FAA] =	sst s4  }
0xd: {  	[smem:$0x3FAB] =	sst s5  }
0xe: {  	[smem:$0x3FAC] =	sst s6  }
0xf: {  	[smem:$0x3FAD] =	sst s7  }
0x10: {  	[smem:$0x3FAE] =	sst s8  }
0x11: {  	[smem:$0x3FAF] =	sst s9;
	s0 =	simm.s32 @!p0 $0x0  }
0x12: {  	s1 =	sld [smem:$0x3F95];
	s0 =	simm.s32 @p0 $0x1  }
0x13: {  	[smem:$0x3FB0] =	sst s0;
	s0 =	simm.s32 @!p1 $0x0  }
0x14: {  	s2 =	sld [smem:$0x3F94];
	s0 =	simm.s32 @p1 $0x1  }
0x15: {  	[smem:$0x3FB1] =	sst s0;
	s0 =	simm.s32 @!p2 $0x0  }
0x16: {  	s3 =	sld [smem:$0x3FDB];
	s0 =	simm.s32 @p2 $0x1  }
0x17: {  	s4 =	simm.s32 $0x1BF5;
	[smem:$0x3FB3] =	sst s0  }
0x18: {  	s0 =	sld [smem:$0x3F96];
	_ =	swait.ge [sflag:s4], $0x0  }
0x19: {  	s7 =	sld [smem:$0x3F97]  }
0x1a: {  	s8 =	sadd.s32 $0xFFFFE003, lr  }
0x1b: {  	s9 =	sadd.s32 $0xFFFFFEF7, lr;
	s5 =	simm.s32 $0xFFFFFFFF;
	p2 =	slt.u32 s8, $0xFFFFF086  }
0x1c: {  	p1 =	slt.u32 s9, $0xF7A;
	s5 =	simm.s32 @!p2 $0x0  }
0x1d: {  	s5 =	simm.s32 @p1 $0x1;
	p0 =	seq.s32 s7, s2  }
0x1e: {  	s7 =	smul.u32 @!p0 $0xF7A, s2;
	p2 =	seq.s32 @!p0 s5, $0x0  }
0x1f: {  	s9 =	smul.u32 $0xF7A, s1;
	s8 =	simm.s32 @!p0 $0x1BF5;
	p2 =	por !p2, p0  }
0x20: {  	[sflag:s8] =	ssyncset.s32 @!p0 $0xFFFFF086;
	s6 =	sadd.s32 @!p0 s3, s7;
	s7 =	simm.s32 @!p0 $0x108  }
0x21: {  	s3 =	sadd.s32 s3, s9;
	s6 =	sadd.s32 @!p0 $0x88, s6;
	s7 =	simm.s32 @p2 $0x1082  }
0x22: {  	[simem:s7], [sflag:s8] =	dma.local @!p0 [hbm:s6], $0xF7A  }
0x23: {  	s9 =	sor.u32 $0xD0000000, s2;
	s6 =	simm.s32 $0x108;
	_ =	swait.ge @!p0 [sflag:s8], $0x0  }
0x24: {  	s3 =	sadd.s32 $0x88, s3;
	s6 =	simm.s32 @!p1 $0x1082;
	[sflag:s4] =	ssyncset.s32 $0xFFFFF086  }
0x25: {  	[simem:s6], [sflag:s4] =	dma.local [hbm:s3], $0xF7A  }
0x26: {  	[smem:$0x3F97] =	sst s1;
	(tag) =	ssettag s2;
	_ =	strace s9  }
0x27: {  	s1 =	sld [smem:$0x3FA7]  }
0x28: {  	s2 =	sld [smem:$0x3FA8]  }
0x29: {  	s4 =	sld [smem:$0x3FAA]  }
0x2a: {  	p0 =	seq.s32 s5, $0x0;
	s5 =	sld [smem:$0x3FAB]  }
0x2b: {  	s6 =	sld [smem:$0x3FAC]  }
0x2c: {  	s7 =	sld [smem:$0x3FAD]  }
0x2d: {  	s3 =	simm.s32 $0x108;
	s8 =	sld [smem:$0x3FAE]  }
0x2e: {  	s3 =	simm.s32 @!p0 $0x1082;
	s9 =	sld [smem:$0x3FAF]  }
0x2f: {  	lr =	sadd.s32 s0, s3;
	s0 =	sld [smem:$0x3FA6]  }
0x30: {  	s3 =	sld [smem:$0x3FA9]  }
0x31: {  	[smem:$0x3FB2] =	sst s10  }
0x32: {  	s10 =	sld [smem:$0x3FB0];
	_ =	sdelay $0x3  }
0x33: {  	p0 =	seq.s32 s10, $0x1;
	s10 =	sld [smem:$0x3FB2];
	_ =	sdelay $0x3  }
0x34: {  	[smem:$0x3FB2] =	sst s10  }
0x35: {  	s10 =	sld [smem:$0x3FB1];
	_ =	sdelay $0x3  }
0x36: {  	p1 =	seq.s32 s10, $0x1;
	s10 =	sld [smem:$0x3FB2];
	_ =	sdelay $0x3  }
0x37: {  	[smem:$0x3FB2] =	sst s10  }
0x38: {  	s10 =	sld [smem:$0x3FB3]  }
0x39: {  	_ = 	snop;
	(pc) =	sbr.ind lr, $3  }
0x3a: {  	_ = 	snop  }
0x3b: {  	_ = 	snop  }
0x3c: {  	p2 =	seq.s32 s10, $0x1;
	s10 =	sld [smem:$0x3FB2]  }
0x3d: {  	_ =	shalt  }
0x3e: {  	_ =	shalt  }
0x3f: {  	_ =	shalt  }
0x40: {  	_ =	shalt  }
0x41: {  	_ =	shalt  }
0x42: {  	_ =	shalt  }
0x43: {  	_ =	shalt  }
0x44: {  	_ =	shalt  }
0x45: {  	_ =	shalt  }
0x46: {  	_ =	shalt  }
0x47: {  	_ =	shalt  }
0x48: {  	_ =	shalt  }
0x49: {  	_ =	shalt  }
0x4a: {  	_ =	shalt  }
0x4b: {  	_ =	shalt  }
0x4c: {  	_ =	shalt  }
0x4d: {  	_ =	shalt  }
0x4e: {  	_ =	shalt  }
0x4f: {  	_ =	shalt  }
0x50: {  	_ =	shalt  }
0x51: {  	_ =	shalt  }
0x52: {  	_ =	shalt  }
0x53: {  	_ =	shalt  }
0x54: {  	_ =	shalt  }
0x55: {  	_ =	shalt  }
0x56: {  	_ =	shalt  }
0x57: {  	_ =	shalt  }
0x58: {  	_ =	shalt  }
0x59: {  	_ =	shalt  }
0x5a: {  	_ =	shalt  }
0x5b: {  	_ =	shalt  }
0x5c: {  	_ =	shalt  }
0x5d: {  	_ =	shalt  }
0x5e: {  	_ =	shalt  }
0x5f: {  	_ =	shalt  }
0x60: {  	_ =	shalt  }
0x61: {  	_ =	shalt  }
0x62: {  	_ =	shalt  }
0x63: {  	_ =	shalt  }
0x64: {  	_ =	shalt  }
0x65: {  	_ =	shalt  }
0x66: {  	_ =	shalt  }
0x67: {  	_ =	shalt  }
0x68: {  	_ =	shalt  }
0x69: {  	_ =	shalt  }
0x6a: {  	_ =	shalt  }
0x6b: {  	_ =	shalt  }
0x6c: {  	_ =	shalt  }
0x6d: {  	_ =	shalt  }
0x6e: {  	_ =	shalt  }
0x6f: {  	_ =	shalt  }
0x70: {  	_ =	shalt  }
0x71: {  	_ =	shalt  }
0x72: {  	_ =	shalt  }
0x73: {  	_ =	shalt  }
0x74: {  	_ =	shalt  }
0x75: {  	_ =	shalt  }
0x76: {  	_ =	shalt  }
0x77: {  	_ =	shalt  }
0x78: {  	_ =	shalt  }
0x79: {  	_ =	shalt  }
0x7a: {  	_ =	shalt  }
0x7b: {  	_ =	shalt  }
0x7c: {  	_ =	shalt  }
0x7d: {  	_ =	shalt  }
0x7e: {  	_ =	shalt  }
0x7f: {  	_ =	shalt  }
0x80: {  	_ =	shalt  }
0x81: {  	_ =	shalt  }
0x82: {  	_ =	shalt  }
0x83: {  	_ =	shalt  }
0x84: {  	_ =	shalt  }
0x85: {  	_ =	shalt  }
0x86: {  	_ =	shalt  }
0x87: {  	_ =	shalt  }
.Lfunc_end0:
.L_simem_size_0:
called_computation_lowered:
.L_overlay_start_0:
0x88: {  	s2 =	sld [smem:$0x3FD9]  }
0x89: {  	s3 =	sld [smem:$0x3FFE];
	_ =	sdelay $0x1  }
0x8a: {  	s1 =	srdreg.scid  }
0x8b: {  	s0 =	sand.u32 $0x1, s1  }
0x8c: {  	s17 =	sshll.u32 s0, $0xA;
	s2 =	sadd.s32 s3, s2  }
0x8d: {  	s2 =	sadd.s32 s2, s17  }
0x8e: {  	[smem:$0x3FBE] =	sst s2  }
0x8f: {  	_ = 	snop  }
0x90: {  	s2 =	sld [smem:$0x3FD0];
	(tm) =	ssettm $0x1  }
0x91: {  	s18 =	sld [smem:$0x3FFB];
	_ =	sdelay $0x3  }
0x92: {  	_ =	strace s18  }
0x93: {  	s3 =	sld [smem:$0x3FFC];
	_ =	sdelay $0x3  }
0x94: {  	_ =	strace s3  }
0x95: {  	s3 =	sld [smem:$0x3FFD];
	_ =	sdelay $0x3  }
0x96: {  	_ =	strace s3  }
0x97: {  	_ =	strace $0x8FFFFFFF  }
0x98: {  	s19 =	sld [smem:$0x3FDB];
	_ =	sdelay $0x1  }
0x99: {  	s4 =	simm.s32 $_scs_section_size  }
0x9a: {  	s5 =	simm.s32 $_size__tile_overlayer_lowered;
	s6 =	simm.s32 $_tile_overlayer_lowered  }
0x9b: {  	s22 =	simm.s32 $0x1BFF;
	s21 =	sshll.u32 s6, $0x1;
	s3 =	sadd.s32 s4, s19  }
0x9c: {  	s7 =	simm.s32 $0x0;
	s20 =	sshll.u32 s5, $0x1;
	s5 =	sadd.s32 s21, s3  }
0x9d: {  	[timem:s7], [sflag:s22] =	dma.local [hbm:s5], s20  }
0x9e: {  	_ =	swait.ge [sflag:s22], s20  }
0x9f: {  	s4 =	ssub.s32 $0x0, s20;
	[sflag:s22] =	ssyncset.done $0x0  }
0xa0: {  	[sflag:s22] =	ssyncadd.s32 s4;
	_ =	sdelay $0x1  }
0xa1: {  	s23 =	simm.s32 $0x1B8B  }
0xa2: {  	_ =	swait.ge [sflag:s23], $0x1  }
0xa3: {  	[sflag:s23] =	ssyncset.done $0x0  }
0xa4: {  	s25 =	simm.s32 $0x1B8E;
	s24 =	sld [smem:$0x3FFE];
	[sflag:s23] =	ssyncadd.s32 $0xFFFFFFFF  }
0xa5: {  	s26 =	simm.s32 $execute0_lowered;
	[smem:$0x3FD2] =	sst s25  }
0xa6: {  	s5 =	sshll.u32 s26, $0x1;
	_ =	strace $0x80000046;
	[dreg:$0x1] =	wrdreg $0xFFFFFFFF  }
0xa7: {  	s28 =	simm.s32 $_size_execute0_lowered;
	s3 =	sadd.s32 s3, s5;
	[dreg:$0x0] =	wrdreg $0x0  }
0xa8: {  	s5 =	sshll.u32 s28, $0x1;
	[dreg:$0x2] =	wrdreg s3  }
0xa9: {  	[dreg:$0x3] =	wrdreg s5  }
0xaa: {  	[dreg:$0x4] =	wrdreg $0xC0  }
0xab: {  	_ =	task [dreg:s7], $0x5FFFF  }
0xac: {  	[dreg:$0x1] =	wrdreg $0xFFFFFFFF  }
0xad: {  	[dreg:$0x0] =	wrdreg $0x60  }
0xae: {  	[dreg:$0x2] =	wrdreg s24  }
0xaf: {  	[dreg:$0x3] =	wrdreg s2  }
0xb0: {  	[dreg:$0x4] =	wrdreg $0x70000  }
0xb1: {  	[dreg:$0x5] =	wrdreg $0x9  }
0xb2: {  	_ =	task.clear_ibuf [dreg:s7], $0x6FFFF;
	_ =	strace $0x90000046  }
0xb3: {  	s29 =	simm.s32 $0x9;
	_ =	strace $0x80000048  }
0xb4: {  	_ =	swait.ge [sflag:s29], $0x1  }
0xb5: {  	[sflag:s29] =	ssyncadd.s32 $0xFFFFFFFF  }
0xb6: {  	_ =	strace $0x90000048  }
0xb7: {  	_ =	sfence  }
0xb8: {  	s30 =	sld [smem:$0x0];
	_ =	sdelay $0x2  }
0xb9: {  	s31 =	sshll.u32 s1, $0xD;
	s1 =	sshrl.u32 s1, $0x2  }
0xba: {  	s3 =	sand.u32 $0x4000, s31;
	s1 =	sadd.s32 s1, s30  }
0xbb: {  	s0 =	sor.u32 s3, s0;
	s1 =	sshll.u32 s1, $0x11  }
0xbc: {  	s0 =	sor.u32 s1, s0  }
0xbd: {  	s0 =	sadd.s32 $0x8F2B, s0  }
0xbe: {  	[sflag:s0] =	ssyncadd.remote.s32 $0x1  }
0xbf: {  	_ =	sfence.sel $0xFFFF  }
0xc0: {  	[dreg:$0x0] =	wrdreg $0xFFFFFFFF;
	(pc) =	sbr.abs _section_cstart, $3  }
0xc1: {  	[dreg:$0x1] =	wrdreg $0xFFFFFFFF  }
0xc2: {  	_ =	task.clear_ibuf [dreg:s7], $0x2FFFF;
	_ =	strace $0x9FFFFFFF  }
0xc3: {  	(tm) =	ssettm $0x7FFFFFFF  }
tec
execute0_lowered:
.L_overlay_start_1:
0x0: {  	(tag) =	ssettag $0x1  }
0x1: {  	s0 =	rddreg [dreg:$0x0]  }
0x2: {  	s7 =	rddreg [dreg:$0x1]  }
0x3: {  	s1 =	rddreg [dreg:$0x2];
	s2 =	simm.s32 $0x0;
	s3 =	srdreg.scid  }
0x4: {  	s16 =	simm.s32 $0x80;
	s17 =	simm.s32 $0x400;
	s18 =	simm.s32 $0x2  }
0x5: {  	s19 =	simm.s32 $0x3000;
	s20 =	simm.s32 $0x2800;
	s21 =	simm.s32 $0x2C00  }
0x6: {  	s22 =	simm.s32 $0x1;
	s23 =	simm.s32 $0x0;
	[smem:$0x7FF] =	sst s2  }
0x7: {  	s8 =	sand.u32 $0x1, s3;
	s3 =	stileid.u32;
	s4 =	sadd.s32 $0x16200, s0  }
0x8: {  	s6 =	sadd.s32 $0xC200, s0;
	_ =	strace $0x80000047;
	s9 =	smul.u32 $0x140000, s8  }
0x9: {  	s5 =	sshll.u32 s8, $0x4;
	s10 =	smul.u32 $0x14000, s3;
	s28 =	sshll.u32 s3, $0x7  }
0xa: {  	s12 =	smul.u32 $0x50000, s3;
	s8 =	ssub.s32 $0x2, s8;
	s13 =	sor.u32 s3, s5  }
0xb: {  	s5 =	sadd.s32 $0x2200, s0;
	s30 =	sshrl.u32 s8, $0x1;
	s11 =	sshrl.u32 s13, $0x3  }
0xc: {  	s9 =	sadd.s32 s10, s9;
	s31 =	sshrl.u32 s12, $0x2;
	s13 =	smul.u32 $0x2800, s13  }
0xd: {  	s15 =	ssub.s32 s8, s30;
	s26 =	smul.u32 $0x14000, s11;
	s9 =	sshrl.u32 s9, $0x3  }
0xe: {  	s11 =	sand.u32 $0x380, s28;
	s8 =	sadd.s32 s31, s1;
	s15 =	smax.u32 s15, $0x1  }
0xf: {  	s0 =	sadd.s32 s9, s0;
	s10 =	sadd.s32 $0x8000, s8;
	s29 =	sor.u32 s11, s26  }
0x10: {  	s12 =	sadd.s32 $0x10000, s8;
	s11 =	sadd.s32 $0xC000, s8;
	s9 =	sshrl.u32 s29, $0x3  }
0x11: {  	v0 =	vimm.f32 $0.0e+00;
	s14 =	sadd.s32 $0x3E200, s0;
	s7 =	sadd.s32 s7, s9;
	s9 =	sadd.s32 $0x4000, s8  }
.LBB2_1:
0x12: {  	s0 =	simm.s32 $0x0  }
0x13: {  	[tilespmem:s0], [sflag:$0x2] =	stream.strided.gather [hbm4b:s7+s16], $0x2800, s17, s16, $0x38;
	[tilespmem:$0x1B000] =	vst v63  }
0x14: {  	_ =	swait.ge [sflag:s18], $0x2800  }
0x15: {  	[sflag:s18] =	ssyncset.done $0x0  }
0x16: {  	s24 =	simm.s32 $0x200;
	s0 =	simm.s32 $0x0;
	[sflag:s18] =	ssyncadd.s32 $0xFFFFD800  }
.LBB2_2:
0x17: {  	p0 =	sne.s32 s24, $0xFE00;
	[tilespmem:s0+$0x3070] =	vst v0  }
0x18: {  	[tilespmem:s0+$0x3000] =	vst v0  }
0x19: {  	[tilespmem:s0+$0x3010] =	vst v0  }
.Ltmp0:
0x1a: {  	[tilespmem:s0+$0x3020] =	vst v0;
	(pc) =	sbr.rel @p0 .LBB2_2-.Ltmp0, $4  }
0x1b: {  	[tilespmem:s0+$0x3030] =	vst v0  }
0x1c: {  	[tilespmem:s0+$0x3040] =	vst v0  }
0x1d: {  	[tilespmem:s0+$0x3050] =	vst v0  }
0x1e: {  	[tilespmem:s0+$0x3060] =	vst v0;
	s0 =	sshra.s32 s24, $0x2;
	s24 =	sadd.s32 $0x200, s24  }
0x1f: {  	[tilespmem:s0+$0x3070] =	vst v0  }
0x20: {  	[tilespmem:s0+$0x3000] =	vst v0  }
0x21: {  	[tilespmem:s0+$0x3010] =	vst v0  }
0x22: {  	[tilespmem:s0+$0x3020] =	vst v0  }
0x23: {  	[tilespmem:s0+$0x3030] =	vst v0  }
0x24: {  	[tilespmem:s0+$0x3040] =	vst v0  }
0x25: {  	[tilespmem:s0+$0x3050] =	vst v0  }
0x26: {  	[tilespmem:s0+$0x3060] =	vst v0  }
0x27: {  	[spmem:s8] =	stream.linear.scatter [tilespmem:s19], [sflag:$0x2], $0x4000, $0x38;
	[tilespmem:$0x1B000] =	vst v63  }
0x28: {  	_ =	swait.ge [sflag:s18], $0x4000  }
0x29: {  	[sflag:s18] =	ssyncset.done $0x0  }
0x2a: {  	[sflag:s18] =	ssyncadd.s32 $0xFFFFC000  }
0x2b: {  	[spmem:s9] =	stream.linear.scatter [tilespmem:s19], [sflag:$0x2], $0x4000, $0x38;
	[tilespmem:$0x1B000] =	vst v63  }
0x2c: {  	_ =	swait.ge [sflag:s18], $0x4000  }
0x2d: {  	[sflag:s18] =	ssyncset.done $0x0  }
0x2e: {  	[sflag:s18] =	ssyncadd.s32 $0xFFFFC000  }
0x2f: {  	[spmem:s10] =	stream.linear.scatter [tilespmem:s19], [sflag:$0x2], $0x4000, $0x38;
	[tilespmem:$0x1B000] =	vst v63  }
0x30: {  	_ =	swait.ge [sflag:s18], $0x4000  }
0x31: {  	[sflag:s18] =	ssyncset.done $0x0  }
0x32: {  	[sflag:s18] =	ssyncadd.s32 $0xFFFFC000  }
0x33: {  	[spmem:s11] =	stream.linear.scatter [tilespmem:s19], [sflag:$0x2], $0x4000, $0x38;
	[tilespmem:$0x1B000] =	vst v63  }
0x34: {  	_ =	swait.ge [sflag:s18], $0x4000  }
0x35: {  	[sflag:s18] =	ssyncset.done $0x0  }
0x36: {  	[sflag:s18] =	ssyncadd.s32 $0xFFFFC000  }
0x37: {  	[spmem:s12] =	stream.linear.scatter [tilespmem:s19], [sflag:$0x2], $0x4000, $0x38;
	[tilespmem:$0x1B000] =	vst v63  }
0x38: {  	_ =	swait.ge [sflag:s18], $0x4000  }
0x39: {  	[sflag:s18] =	ssyncset.done $0x0  }
0x3a: {  	[sflag:s18] =	ssyncadd.s32 $0xFFFFC000  }
0x3b: {  	s24 =	simm.s32 $0x0;
	s25 =	simm.s32 $0x0;
	[bflag:$0x0] =	sbarrier.arrive $0xFFFF  }
.LBB2_4:
0x3c: {  	s0 =	sshll.u32 s25, $0xA  }
0x3d: {  	s26 =	sadd.s32 s13, s0  }
0x3e: {  	s26 =	sshrl.u32 s26, $0x3  }
0x3f: {  	s28 =	sadd.s32 s5, s26  }
0x40: {  	[tilespmem:s20], [sflag:$0x2] =	stream.linear.gather [hbm4b:s28+s24], $0x400, $0x38;
	[tilespmem:$0x1B000] =	vst v63  }
0x41: {  	_ =	swait.ge [sflag:s18], $0x400  }
0x42: {  	[sflag:s18] =	ssyncset.done $0x0  }
0x43: {  	s26 =	sadd.s32 s6, s26;
	[sflag:s18] =	ssyncadd.s32 $0xFFFFFC00  }
0x44: {  	[tilespmem:s21], [sflag:$0x2] =	stream.linear.gather [hbm4b:s26+s24], $0x400, $0x38;
	[tilespmem:$0x1B000] =	vst v63  }
0x45: {  	_ =	swait.ge [sflag:s18], $0x400  }
0x46: {  	[sflag:s18] =	ssyncset.done $0x0  }
0x47: {  	s28 =	simm.s32 $0x0;
	s26 =	sand.u32 $0x3FFFFC00, s0;
	[sflag:s18] =	ssyncadd.s32 $0xFFFFFC00  }
.LBB2_5:
0x48: {  	s0 =	sshll.u32 s28, $0x9;
	s30 =	simm.s32 $0x0  }
0x49: {  	s2 =	sshll.u32 s28, $0x7;
	s29 =	sshrl.u32 s0, $0x2;
	v2 =	vmov s30  }
0x4a: {  	v1 =	vmov s2;
	s30 =	sadd.s32 s29, s26;
	v2 =	vand.u32 $0x7F, v2  }
0x4b: {  	[tilespmem:s19], [sflag:$0x1] =	stream.indirect.gather [hbm4b:s4+s16], $0x80, s30, s16, $0xb8;
	v2 =	vadd.s32 v1, v2;
	[tilespmem:$0x1B000] =	vst v63  }
0x4c: {  	_ =	swait.ge [sflag:s22], $0x4000;
	v2 =	vbroadcast v2, $0x0  }
0x4d: {  	[sflag:s22] =	ssyncset.done $0x0  }
0x4e: {  	s30 =	simm.s32 $0x3040;
	[sflag:s22] =	ssyncadd.s32 $0xFFFFC000  }
0x4f: {  	v6 =	vld [tilespmem:s30+$0x30]  }
0x50: {  	v9 =	vld [tilespmem:s30+$0x10]  }
0x51: {  	v7 =	vld [tilespmem:s30+$0xFFFFFFC0]  }
0x52: {  	v3 =	vld.idx.msk [tilespmem:v2+s21+$0x0], $0xffff  }
0x53: {  	v12 =	vld [tilespmem:s30+$0xFFFFFFE0]  }
0x54: {  	v4 =	vld [tilespmem:s30+$0x20]  }
0x55: {  	v5 =	vld [tilespmem:s30+$0xFFFFFFD0]  }
0x56: {  	v2 =	vld [tilespmem:s30+$0xFFFFFFF0]  }
0x57: {  	v10 =	vmul.f32 v6, v3;
	v6 =	vld [tilespmem:s30+$0x0]  }
0x58: {  	s31 =	simm.s32 $0x1;
	v8 =	vmul.f32 v7, v3  }
0x59: {  	s0 =	simm.s32 $0x2;
	v11 =	vmov s31;
	s31 =	simm.s32 $0x3040;
	v7 =	vmul.f32 v12, v3;
	v9 =	vmul.f32 v9, v3  }
.LBB2_6:
0x5a: {  	p0 =	sne.s32 s0, $0x7F  }
0x5b: {  	v11 =	vand.u32 $0x7F, v11;
	v5 =	vmul.f32 v5, v3;
	v4 =	vmul.f32 v4, v3;
	[tilespmem:s30+$0x30] =	vst v10;
	s31 =	sadd.s32 $0x80, s31;
	s2 =	smov.u32 s0;
	s0 =	sadd.s32 $0x1, s0  }
0x5c: {  	v10 =	vadd.s32 v1, v11;
	[tilespmem:s30+$0xFFFFFFC0] =	vst v8;
	v8 =	vmul.f32 v2, v3;
	v3 =	vmul.f32 v6, v3  }
0x5d: {  	v6 =	vbroadcast v10, $0x0;
	[tilespmem:s30+$0x10] =	vst v9  }
0x5e: {  	[tilespmem:s30+$0xFFFFFFE0] =	vst v7  }
0x5f: {  	v2 =	vld [tilespmem:s31+$0xFFFFFFF0];
	[tilespmem:s30+$0xFFFFFFF0] =	vst v8  }
0x60: {  	v7 =	vld [tilespmem:s31+$0x30];
	[tilespmem:s30+$0x0] =	vst v3  }
0x61: {  	v9 =	vld [tilespmem:s31+$0x10];
	[tilespmem:s30+$0x20] =	vst v4  }
0x62: {  	v8 =	vld [tilespmem:s31+$0xFFFFFFC0];
	[tilespmem:s30+$0xFFFFFFD0] =	vst v5;
	s30 =	smov.u32 s31  }
0x63: {  	v3 =	vld.idx.msk [tilespmem:v6+s21+$0x0], $0xffff  }
0x64: {  	v12 =	vld [tilespmem:s31+$0xFFFFFFE0]  }
0x65: {  	v4 =	vld [tilespmem:s31+$0x20]  }
.Ltmp1:
0x66: {  	v5 =	vld [tilespmem:s31+$0xFFFFFFD0];
	(pc) =	sbr.rel @p0 .LBB2_6-.Ltmp1, $3  }
0x67: {  	v6 =	vld [tilespmem:s31+$0x0];
	_ =	sdelay $0x1  }
0x68: {  	v8 =	vmul.f32 v8, v3;
	v10 =	vmul.f32 v7, v3  }
0x69: {  	v11 =	vmov s2;
	v9 =	vmul.f32 v9, v3;
	v7 =	vmul.f32 v12, v3  }
0x6a: {  	[tilespmem:s30+$0x30] =	vst v10;
	v58 =	vand.u32 $0x7F, v11  }
0x6b: {  	[tilespmem:s30+$0xFFFFFFC0] =	vst v8;
	v1 =	vadd.s32 v1, v58  }
0x6c: {  	v2 =	vmul.f32 v2, v3;
	[tilespmem:s30+$0x10] =	vst v9;
	v1 =	vbroadcast v1, $0x0  }
0x6d: {  	s0 =	sadd.s32 $0x80, s31;
	[tilespmem:s30+$0xFFFFFFE0] =	vst v7;
	v6 =	vmul.f32 v6, v3  }
0x6e: {  	v4 =	vmul.f32 v4, v3;
	v3 =	vmul.f32 v5, v3;
	v7 =	vld [tilespmem:s0+$0xFFFFFFF0];
	[tilespmem:s30+$0xFFFFFFF0] =	vst v2  }
0x6f: {  	v2 =	vld [tilespmem:s0+$0x30];
	[tilespmem:s30+$0x0] =	vst v6  }
0x70: {  	v60 =	vld [tilespmem:s0+$0xFFFFFFC0];
	[tilespmem:s30+$0xFFFFFFD0] =	vst v3  }
0x71: {  	v59 =	vld [tilespmem:s0+$0x10];
	[tilespmem:s30+$0x20] =	vst v4  }
0x72: {  	v1 =	vld.idx.msk [tilespmem:v1+s21+$0x0], $0xffff;
	_ =	sdelay $0x2  }
0x73: {  	v6 =	vld [tilespmem:s0+$0x0]  }
0x74: {  	v3 =	vld [tilespmem:s0+$0xFFFFFFE0]  }
0x75: {  	v2 =	vmul.f32 v2, v1  }
0x76: {  	v61 =	vld [tilespmem:s0+$0x20];
	v4 =	vmul.f32 v60, v1  }
0x77: {  	v62 =	vld [tilespmem:s0+$0xFFFFFFD0];
	v5 =	vmul.f32 v59, v1;
	[tilespmem:s0+$0x30] =	vst v2  }
0x78: {  	v63 =	vmul.f32 v6, v1;
	[tilespmem:s0+$0xFFFFFFC0] =	vst v4  }
0x79: {  	v2 =	vmul.f32 v3, v1;
	[tilespmem:s0+$0x10] =	vst v5  }
0x7a: {  	v3 =	vmul.f32 v7, v1;
	[tilespmem:s0+$0x0] =	vst v63  }
0x7b: {  	[tilespmem:s0+$0xFFFFFFE0] =	vst v2;
	v2 =	vmul.f32 v61, v1  }
0x7c: {  	s28 =	sadd.s32 $0x1, s28;
	[tilespmem:s0+$0xFFFFFFF0] =	vst v3;
	v1 =	vmul.f32 v62, v1  }
0x7d: {  	p0 =	sne.s32 s28, $0x8;
	[tilespmem:s0+$0x20] =	vst v2  }
.Ltmp2:
0x7e: {  	s31 =	sadd.s32 $0x2800, s29;
	[tilespmem:s0+$0xFFFFFFD0] =	vst v1;
	(pc) =	sbr.rel @p0 .LBB2_5-.Ltmp2, $4  }
0x7f: {  	[spmem:s1] =	stream.indirect.scatter.add.f32 [tilespmem:s19], [sflag:$0x2], $0x80, s31, s16, $0xb8;
	[tilespmem:$0x1B000] =	vst v63  }
0x80: {  	_ =	swait.ge [sflag:s18], $0x4000  }
0x81: {  	[sflag:s18] =	ssyncset.done $0x0  }
0x82: {  	[sflag:s18] =	ssyncadd.s32 $0xFFFFC000  }
0x83: {  	s25 =	sadd.s32 $0x1, s25  }
0x84: {  	p0 =	sne.s32 s25, $0xA  }
.Ltmp3:
0x85: {  	_ = 	snop;
	(pc) =	sbr.rel @p0 .LBB2_4-.Ltmp3, $1  }
0x86: {  	_ =	sdelay $0x3  }
0x87: {  	s23 =	sadd.s32 $0x1, s23  }
0x88: {  	s0 =	sshll.u32 s3, $0x6;
	[bflag:$0x0] =	sbarrier.arrive $0xFFFF;
	p0 =	sne.s32 s23, s15  }
.Ltmp4:
0x89: {  	s2 =	sshrl.u32 s8, $0x3;
	s0 =	sor.u32 $0x1C02, s0;
	(pc) =	sbr.rel @p0 .LBB2_1-.Ltmp4, $4  }
0x8a: {  	[hbm:s14], [sflag:s0] =	dma.local [spmem:s2], $0x2800  }
0x8b: {  	_ =	swait.ge [sflag:s18], $0x2800  }
0x8c: {  	[sflag:s18] =	ssyncset.done $0x0  }
0x8d: {  	[sflag:s18] =	ssyncadd.s32 $0xFFFFD800  }
0x8e: {  	_ =	sfence.sel $0x180000  }
0x8f: {  	[bflag:$0x0] =	sbarrier.arrive $0xFFFF  }
0x90: {  	_ =	strace $0x90000047  }
0x91: {  	[bflag:$0x2] =	sbarrier.arrive $0xFFFF  }
0x92: {  	p0 =	sne.s32 s3, $0x0;
	s0 =	rddreg [dreg:$0x3]  }
0x93: {  	s0 =	sadd.s32 @!p0 $0x100000, s0  }
0x94: {  	[sflag:s0] =	ssyncadd.tile.s32 @!p0 $0x1;
	_ =	shalt  }
.Lfunc_end2:
_tile_overlayer_lowered:
.L_overlay_start_2:
0x95: {  	(tag) =	ssettag $0x2  }
0x96: {  	s0 =	rddreg [dreg:$0x0];
	s2 =	stileid.u32  }
0x97: {  	s1 =	rddreg [dreg:$0x1];
	p0 =	sne.s32 s2, $0x0  }
0x98: {  	s3 =	rddreg [dreg:$0x2];
	[bflag:$0x3] =	sbarrier.arrive $0xFFFF;
	s2 =	simm.s32 @!p0 $0x1C02  }
0x99: {  	[timem:s3], [sflag:s2] =	dma.local @!p0 [hbm:s0], s1  }
0x9a: {  	s0 =	simm.s32 @!p0 $0x2  }
0x9b: {  	_ =	swait.ge @!p0 [sflag:s0], s1  }
0x9c: {  	s1 =	ssub.s32 @!p0 $0x0, s1;
	[sflag:s0] =	ssyncset.done @!p0 $0x0  }
0x9d: {  	[sflag:s0] =	ssyncadd.s32 @!p0 s1  }
0x9e: {  	[bflag:$0x3] =	sbarrier.arrive $0xFFFF  }
0x9f: {  	_ =	shalt  }

</sc_bundles>
